<compile_context>
chip_gen: v7x
topology: tpu7x:2x2x1
jax: 0.10.2.dev20260603
libtpu: 0.0.44.dev20260713+nightly
codegen_flags: <defaults>
</compile_context>

<pallas_src>
import jax
import jax.numpy as jnp
from jax.experimental import pallas as pl
from jax.experimental.pallas import tpu as pltpu
from jax.experimental.pallas import tpu_sc as plsc

SOM_H = 64
SOM_W = 128
K = SOM_H * SOM_W
Z = 256


def _esq_body(cb_ref, esq_ref):
    cb = cb_ref[...]
    col = jnp.sum(cb * cb, axis=1, keepdims=True)
    esq_ref[...] = jnp.transpose(col)


def _encq_body(x_ref, wenc_ref, benc_ref, cb_ref, esq_ref,
               z_ref, dist_ref, idx_ref, idxrow_ref):
    xb = x_ref[...].reshape(x_ref.shape[0], -1)
    z = jnp.dot(xb.astype(jnp.bfloat16),
                wenc_ref[...].astype(jnp.bfloat16),
                preferred_element_type=jnp.float32) + benc_ref[...]
    z = jnp.maximum(z, 0.0)
    z_ref[...] = z

    zcb = jax.lax.dot_general(z.astype(jnp.bfloat16),
                              cb_ref[...].astype(jnp.bfloat16),
                              (((1,), (1,)), ((), ())),
                              preferred_element_type=jnp.float32)
    zsq = jnp.sum(z * z, axis=1, keepdims=True)
    dist = (zsq - 2.0 * zcb) + esq_ref[...]
    dist_ref[...] = dist

    minval = jnp.min(dist, axis=1, keepdims=True)
    lane = jax.lax.broadcasted_iota(jnp.int32, dist.shape, 1)
    idx = jnp.min(jnp.where(dist == minval, lane, K), axis=1, keepdims=True)
    idx_ref[...] = idx
    idxrow_ref[...] = jnp.transpose(idx)[None, :, :]


def _dec_body(inv_ref, z_ref, idx_ref, wdc_ref, bdc_ref, wdd_ref, bdd_ref,
              xhc_ref, xhd_ref, wgt_ref, nb_ref):
    z = z_ref[...]
    idx = idx_ref[...]
    zb = z.astype(jnp.bfloat16)
    xhc = jnp.dot(zb, wdc_ref[...].astype(jnp.bfloat16),
                  preferred_element_type=jnp.float32) + bdc_ref[...]
    xhc_ref[...] = xhc.reshape(xhc_ref.shape)
    xhd = jnp.dot(zb, wdd_ref[...].astype(jnp.bfloat16),
                  preferred_element_type=jnp.float32) + bdd_ref[...]
    xhd_ref[...] = xhd.reshape(xhd_ref.shape)

    r = idx // SOM_W
    c = idx % SOM_W
    up = jnp.clip(r - 1, 0, SOM_H - 1) * SOM_W + c
    down = jnp.clip(r + 1, 0, SOM_H - 1) * SOM_W + c
    left = r * SOM_W + jnp.clip(c - 1, 0, SOM_W - 1)
    right = r * SOM_W + jnp.clip(c + 1, 0, SOM_W - 1)
    nb_ref[...] = jnp.concatenate([idx, up, down, left, right], axis=1)

    inv = inv_ref[...]
    rows = z.shape[0]
    rf = r.astype(jnp.float32)
    cf = c.astype(jnp.float32)
    rowg = jax.lax.broadcasted_iota(jnp.int32, (rows, SOM_H), 1).astype(jnp.float32)
    colg = jax.lax.broadcasted_iota(jnp.int32, (rows, SOM_W), 1).astype(jnp.float32)
    rowexp = jnp.exp(-((rowg - rf) ** 2) * inv)
    colexp = jnp.exp(-((colg - cf) ** 2) * inv)
    wgt_ref[...] = (rowexp[:, :, None] * colexp[:, None, :]).reshape(rows, K)


def _sc_gather_rows(table, idx_row):
    n = idx_row.shape[1]
    win = 128
    mesh = plsc.VectorSubcoreMesh(core_axis_name="core",
                                  subcore_axis_name="subcore")

    @pl.kernel(out_type=jax.ShapeDtypeStruct((n, table.shape[1]), table.dtype),
               mesh=mesh)
    def gather_kernel(tab_hbm, i_hbm, o_hbm):
        def body(i_vmem, o_vmem):
            pltpu.sync_copy(tab_hbm.at[i_vmem.at[0]], o_vmem)

        pltpu.emit_pipeline(
            body,
            grid=(n // win,),
            in_specs=[pl.BlockSpec((1, win), index_map=lambda i: (0, i))],
            out_specs=[pl.BlockSpec((win, table.shape[1]),
                                    index_map=lambda i: (i, 0))],
            core_axis_name=("core", "subcore"),
            dimension_semantics=(pltpu.PARALLEL,),
        )(i_hbm, o_hbm)

    return gather_kernel(table, idx_row)


def kernel(x, epoch, W_enc, b_enc, codebook,
           W_dec_cont, b_dec_cont, W_dec_disc, b_dec_disc):
    B = x.shape[0]
    C, T = x.shape[1], x.shape[2]
    CT = C * T

    esq = pl.pallas_call(
        _esq_body,
        grid=(1,),
        in_specs=[pl.BlockSpec((K, Z), lambda i: (0, 0))],
        out_specs=pl.BlockSpec((1, K), lambda i: (0, 0)),
        out_shape=jax.ShapeDtypeStruct((1, K), jnp.float32),
    )(codebook)

    BA = 128
    z_cont, dist, idx2d, idxrow = pl.pallas_call(
        _encq_body,
        grid=(B // BA,),
        in_specs=[
            pl.BlockSpec((BA, C, T), lambda i: (i, 0, 0)),
            pl.BlockSpec((CT, Z), lambda i: (0, 0)),
            pl.BlockSpec((1, Z), lambda i: (0, 0)),
            pl.BlockSpec((K, Z), lambda i: (0, 0)),
            pl.BlockSpec((1, K), lambda i: (0, 0)),
        ],
        out_specs=[
            pl.BlockSpec((BA, Z), lambda i: (i, 0)),
            pl.BlockSpec((BA, K), lambda i: (i, 0)),
            pl.BlockSpec((BA, 1), lambda i: (i, 0)),
            pl.BlockSpec((1, 1, BA), lambda i: (i, 0, 0)),
        ],
        out_shape=[
            jax.ShapeDtypeStruct((B, Z), jnp.float32),
            jax.ShapeDtypeStruct((B, K), jnp.float32),
            jax.ShapeDtypeStruct((B, 1), jnp.int32),
            jax.ShapeDtypeStruct((B // BA, 1, BA), jnp.int32),
        ],
        compiler_params=pltpu.CompilerParams(
            dimension_semantics=("parallel",)),
    )(x, W_enc, b_enc.reshape(1, Z), codebook, esq)

    z_disc = _sc_gather_rows(codebook, idxrow.reshape(1, B))

    sigma = jnp.maximum(0.5, 10.0 * jnp.exp(-jnp.asarray(epoch, jnp.float32) / 20.0))
    inv2s = (1.0 / (2.0 * sigma * sigma)).reshape(1, 1)

    BB = 128
    xhc, xhd, wgt, nb = pl.pallas_call(
        _dec_body,
        grid=(B // BB,),
        in_specs=[
            pl.BlockSpec((1, 1), lambda i: (0, 0)),
            pl.BlockSpec((BB, Z), lambda i: (i, 0)),
            pl.BlockSpec((BB, 1), lambda i: (i, 0)),
            pl.BlockSpec((Z, CT), lambda i: (0, 0)),
            pl.BlockSpec((1, CT), lambda i: (0, 0)),
            pl.BlockSpec((Z, CT), lambda i: (0, 0)),
            pl.BlockSpec((1, CT), lambda i: (0, 0)),
        ],
        out_specs=[
            pl.BlockSpec((BB, C, T), lambda i: (i, 0, 0)),
            pl.BlockSpec((BB, C, T), lambda i: (i, 0, 0)),
            pl.BlockSpec((BB, K), lambda i: (i, 0)),
            pl.BlockSpec((BB, 5), lambda i: (i, 0)),
        ],
        out_shape=[
            jax.ShapeDtypeStruct((B, C, T), jnp.float32),
            jax.ShapeDtypeStruct((B, C, T), jnp.float32),
            jax.ShapeDtypeStruct((B, K), jnp.float32),
            jax.ShapeDtypeStruct((B, 5), jnp.int32),
        ],
        compiler_params=pltpu.CompilerParams(
            dimension_semantics=("parallel",)),
    )(inv2s, z_cont, idx2d,
      W_dec_cont, b_dec_cont.reshape(1, CT),
      W_dec_disc, b_dec_disc.reshape(1, CT))

    codebook_idxs = idxrow.reshape(B)
    return (codebook_idxs, z_cont, z_disc, nb, wgt, dist, xhc, xhd)

# --- scband reference (transcript-rebuilt; emitter-appended) ---
"""Pipeline reference for scband-som-vae-51015621542620 (READ-ONLY COPY).

The authoritative reference and input builder live on the scoring server;
editing this copy changes nothing except your own understanding.
"""

import jax, jax.numpy as jnp
import numpy as np

SOM_H, SOM_W = 64, 128
K = SOM_H * SOM_W
Z_DIM = 256
B, C, T = 1024, 4, 2048


def setup_inputs(seed: int = 0) -> dict:
    key = jax.random.key(seed)
    ks = jax.random.split(key, 8)
    x = jax.random.normal(ks[0], (B, C, T), dtype=jnp.float32)
    W_enc = jax.random.normal(ks[1], (C * T, Z_DIM), dtype=jnp.float32) * 0.02
    b_enc = jnp.zeros((Z_DIM,), dtype=jnp.float32)
    codebook = jax.random.normal(ks[2], (K, Z_DIM), dtype=jnp.float32)
    W_dec_cont = jax.random.normal(ks[3], (Z_DIM, C * T), dtype=jnp.float32) * 0.02
    b_dec_cont = jnp.zeros((C * T,), dtype=jnp.float32)
    W_dec_disc = jax.random.normal(ks[4], (Z_DIM, C * T), dtype=jnp.float32) * 0.02
    b_dec_disc = jnp.zeros((C * T,), dtype=jnp.float32)
    return {"x": x, "epoch": 3, "W_enc": W_enc, "b_enc": b_enc,
            "codebook": codebook, "W_dec_cont": W_dec_cont, "b_dec_cont": b_dec_cont,
            "W_dec_disc": W_dec_disc, "b_dec_disc": b_dec_disc}


def reference(x, epoch, W_enc, b_enc, codebook, W_dec_cont, b_dec_cont, W_dec_disc, b_dec_disc):
    # Encoder: bs x channels x window_length -> z_cont (bs x z_dim). nr_windows == 1 path.
    bsz = x.shape[0]
    x_flat = x.reshape(bsz, -1)
    z_cont = jax.nn.relu(x_flat @ W_enc + b_enc)

    # Quantizer: MSE distance between z_cont and all SOM codebook vectors -> bs x som_nodes
    z_sq = jnp.sum(z_cont ** 2, axis=1, keepdims=True)
    e_sq = jnp.sum(codebook ** 2, axis=1)[None, :]
    distance_matrix = z_sq - 2.0 * (z_cont @ codebook.T) + e_sq
    codebook_idxs = jnp.argmin(distance_matrix, axis=1)
    z_disc = jnp.take(codebook, codebook_idxs, axis=0)

    # SOM grid neighbours of BMU (self, up, down, left, right; clamped at edges)
    r = codebook_idxs // SOM_W
    c = codebook_idxs % SOM_W
    up = jnp.clip(r - 1, 0, SOM_H - 1) * SOM_W + c
    down = jnp.clip(r + 1, 0, SOM_H - 1) * SOM_W + c
    left = r * SOM_W + jnp.clip(c - 1, 0, SOM_W - 1)
    right = r * SOM_W + jnp.clip(c + 1, 0, SOM_W - 1)
    codebook_idxs_neighbours = jnp.stack([codebook_idxs, up, down, left, right], axis=1)

    # Epoch-dependent gaussian kernel neighbourhood weights over all map nodes
    sigma = jnp.maximum(0.5, 10.0 * jnp.exp(-jnp.asarray(epoch, jnp.float32) / 20.0))
    rows = (jnp.arange(K) // SOM_W).astype(jnp.float32)
    cols = (jnp.arange(K) % SOM_W).astype(jnp.float32)
    grid_d2 = (rows[None, :] - r[:, None].astype(jnp.float32)) ** 2 + \
              (cols[None, :] - c[:, None].astype(jnp.float32)) ** 2
    neighbour_weighing = jnp.exp(-grid_d2 / (2.0 * sigma ** 2))

    # Decoders: both receive the continuous latent (per original forward)
    x_hat_cont = (z_cont @ W_dec_cont + b_dec_cont).reshape(x.shape)
    x_hat_disc = (z_cont @ W_dec_disc + b_dec_disc).reshape(x.shape)

    return (codebook_idxs, z_cont, z_disc, codebook_idxs_neighbours,
            neighbour_weighing, distance_matrix, x_hat_cont, x_hat_disc)

if __name__ == "__main__":
    import jax
    _d = setup_inputs()
    print(jax.jit(kernel)(*tuple(_d.values())))

</pallas_src>

<mosaic_0001>
#map = affine_map<(d0, d1) -> (0, 0)>
module attributes {stable_mosaic.version = 14 : i64} {
  func.func @gather_kernel(%arg0: i32, %arg1: i32, %arg2: memref<8192x256xf32, #tpu.memory_space<hbm>>, %arg3: memref<1x1024xi32, #tpu.memory_space<hbm>>, %arg4: memref<1024x256xf32, #tpu.memory_space<hbm>>) attributes {dimension_semantics = [#tpu.dimension_semantics<core_parallel>, #tpu.dimension_semantics<subcore_parallel>], iteration_bounds = array<i64: 2, 16>, scalar_prefetch = 0 : i64, scratch_operands = 0 : i64, tpu.core_type = #tpu.core_type<sc_vector_subcore>, window_params = [{transform_indices = #map}, {transform_indices = #map}, {transform_indices = #map}]} {
    %mul3A = arith.constant 1 : i32
    %mul3A_0 = arith.muli %arg1, %mul3A : i32
    %add3A = arith.constant 0 : i32
    %add3A_1 = arith.addi %add3A, %mul3A_0 : i32
    %mul3A_2 = arith.constant 16 : i32
    %mul3A_3 = arith.muli %arg0, %mul3A_2 : i32
    %add3A_4 = arith.addi %add3A_1, %mul3A_3 : i32
    %lt3A = arith.constant 8 : i32
    %lt3A_5 = arith.cmpi slt, %add3A_4, %lt3A : i32
    %jit3A = arith.constant 1 : i32
    %jit3A_6 = arith.constant 0 : i32
    %select_n3A = arith.select %lt3A_5, %jit3A, %jit3A_6 : i32
    %lt3A_7 = arith.constant 8 : i32
    %lt3A_8 = arith.cmpi slt, %add3A_4, %lt3A_7 : i32
    %mul3A_9 = arith.muli %add3A_4, %select_n3A : i32
    %mul3A_10 = arith.constant 0 : i32
    %mul3A_11 = arith.muli %add3A_4, %mul3A_10 : i32
    %add3A_12 = arith.constant 8 : i32
    %add3A_13 = arith.addi %mul3A_11, %add3A_12 : i32
    %select_n3A_14 = arith.select %lt3A_8, %mul3A_9, %add3A_13 : i32
    %mul3A_15 = arith.constant 1 : i32
    %mul3A_16 = arith.muli %mul3A_15, %select_n3A : i32
    "tpu.region"() ({
      %run_scoped3A = memref.alloca() : memref<2x1x128xi32, #tpu.memory_space<vmem>>
      %run_scoped3A_17 = tpu.sem_alloc : memref<2x!tpu.dma_semaphore, #tpu.memory_space<semaphore_mem>>
      %run_scoped3A_18 = memref.alloca() : memref<2x128x256xf32, #tpu.memory_space<vmem>>
      %run_scoped3A_19 = tpu.sem_alloc : memref<2x!tpu.dma_semaphore, #tpu.memory_space<semaphore_mem>>
      %gt3A = arith.constant 0 : i32
      %gt3A_20 = arith.cmpi sgt, %mul3A_16, %gt3A : i32
      %convert_element_type3A = arith.extui %gt3A_20 : i1 to i32
      %cond3A = arith.constant 0 : i32
      %cond3A_21 = arith.cmpi ne, %convert_element_type3A, %cond3A : i32
      scf.if %cond3A_21 {
        %mul3A_22 = arith.constant 1 : i32
        %mul3A_23 = arith.muli %mul3A_22, %select_n3A : i32
        %sub3A = arith.constant 1 : i32
        %sub3A_24 = arith.subi %mul3A_23, %sub3A : i32
        %eq3A = arith.constant 0 : i32
        %eq3A_25 = arith.cmpi eq, %sub3A_24, %eq3A : i32
        %add3A_26 = arith.constant 0 : i32
        %add3A_27 = arith.addi %add3A_26, %select_n3A_14 : i32
        %select_n3A_28 = arith.constant true
        %select_n3A_29 = arith.constant 0 : i32
        %select_n3A_30 = arith.constant -1 : i32
        %select_n3A_31 = arith.select %select_n3A_28, %select_n3A_30, %select_n3A_29 : i32
        %eq3A_32 = arith.constant -1 : i32
        %eq3A_33 = arith.cmpi eq, %select_n3A_31, %eq3A_32 : i32
        %sub3A_34 = arith.constant 1 : i32
        %sub3A_35 = arith.subi %select_n3A, %sub3A_34 : i32
        %select_n3A_36 = arith.select %eq3A_33, %sub3A_35, %select_n3A_31 : i32
        %add3A_37 = arith.addi %select_n3A_36, %select_n3A_14 : i32
        %select_n3A_38 = arith.constant true
        %select_n3A_39 = arith.constant 0 : i32
        %select_n3A_40 = arith.constant 1 : i32
        %select_n3A_41 = arith.select %select_n3A_38, %select_n3A_40, %select_n3A_39 : i32
        %eq3A_42 = arith.cmpi eq, %select_n3A_41, %select_n3A : i32
        %select_n3A_43 = arith.constant 0 : i32
        %select_n3A_44 = arith.select %eq3A_42, %select_n3A_43, %select_n3A_41 : i32
        %add3A_45 = arith.addi %select_n3A_44, %select_n3A_14 : i32
        %add3A_46 = arith.constant 1 : i32
        %add3A_47 = arith.addi %select_n3A_44, %add3A_46 : i32
        %select_n3A_48 = arith.constant true
        %select_n3A_49 = arith.select %select_n3A_48, %add3A_47, %select_n3A_44 : i32
        %eq3A_50 = arith.cmpi eq, %select_n3A_49, %select_n3A : i32
        %select_n3A_51 = arith.constant 0 : i32
        %select_n3A_52 = arith.select %eq3A_50, %select_n3A_51, %select_n3A_49 : i32
        %add3A_53 = arith.addi %select_n3A_52, %select_n3A_14 : i32
        "tpu.trace_start"() <{level = 10 : i32, message = "ep_initialize_0"}> : () -> ()
        %rem3A = arith.constant 0 : i32
        %rem3A_54 = arith.constant 2 : i32
        %rem3A_55 = arith.remui %rem3A, %rem3A_54 : i32
        %mul3A_56 = arith.constant 128 : i32
        %mul3A_57 = arith.muli %mul3A_56, %add3A_27 : i32
        %dma_start3A = arith.constant 0 : i32
        %dma_start3A_58 = arith.constant 0 : i32
        %dma_start3A_59 = tpu.memref_slice %run_scoped3A[%rem3A_55, %dma_start3A, %dma_start3A_58] : memref<2x1x128xi32, #tpu.memory_space<vmem>> -> memref<1x1x128xi32, #tpu.memory_space<vmem>>
        %dma_start3A_60 = tpu.memref_squeeze %dma_start3A_59 : memref<1x1x128xi32, #tpu.memory_space<vmem>> -> memref<1x128xi32, #tpu.memory_space<vmem>>
        %dma_start3A_61 = arith.constant 0 : i32
        %dma_start3A_62 = tpu.memref_slice %arg3[%dma_start3A_61, %mul3A_57] : memref<1x1024xi32, #tpu.memory_space<hbm>> -> memref<1x128xi32, #tpu.memory_space<hbm>>
        %dma_start3A_63 = tpu.memref_slice %run_scoped3A_17[%rem3A_55] : memref<2x!tpu.dma_semaphore, #tpu.memory_space<semaphore_mem>> -> memref<1x!tpu.dma_semaphore, #tpu.memory_space<semaphore_mem>>
        %dma_start3A_64 = tpu.memref_squeeze %dma_start3A_63 : memref<1x!tpu.dma_semaphore, #tpu.memory_space<semaphore_mem>> -> memref<!tpu.dma_semaphore, #tpu.memory_space<semaphore_mem>>
        %dma_start3A_65 = arith.constant 0 : i32
        %dma_start3A_66 = arith.constant 0 : i32
        %dma_start3A_67 = tpu.memref_slice %run_scoped3A[%rem3A_55, %dma_start3A_65, %dma_start3A_66] : memref<2x1x128xi32, #tpu.memory_space<vmem>> -> memref<1x1x128xi32, #tpu.memory_space<vmem>>
        %dma_start3A_68 = tpu.memref_squeeze %dma_start3A_67 : memref<1x1x128xi32, #tpu.memory_space<vmem>> -> memref<1x128xi32, #tpu.memory_space<vmem>>
        %dma_start3A_69 = arith.constant 0 : i32
        %dma_start3A_70 = tpu.memref_slice %arg3[%dma_start3A_69, %mul3A_57] : memref<1x1024xi32, #tpu.memory_space<hbm>> -> memref<1x128xi32, #tpu.memory_space<hbm>>
        tpu.enqueue_dma source(%dma_start3A_70 : memref<1x128xi32, #tpu.memory_space<hbm>>) target(%dma_start3A_68 : memref<1x128xi32, #tpu.memory_space<vmem>>) target_semaphore(%dma_start3A_64 : memref<!tpu.dma_semaphore, #tpu.memory_space<semaphore_mem>>)
        %add3A_71 = arith.constant 0 : i32
        %add3A_72 = arith.constant 1 : i32
        %add3A_73 = arith.addi %add3A_71, %add3A_72 : i32
        %select_n3A_74 = arith.constant true
        %select_n3A_75 = arith.constant 0 : i32
        %select_n3A_76 = arith.select %select_n3A_74, %add3A_73, %select_n3A_75 : i32
        %while3A = arith.constant 0 : i32
        %while3A_77 = arith.constant 0 : i32
        %while3A_78 = arith.constant 0 : i32
        %while3A_79 = arith.constant 0 : i32
        %while3A_80 = arith.constant 0 : i32
        "tpu.trace_stop"() : () -> ()
        %while3A_81 = arith.subi %mul3A_16, %while3A : i32
        %while3A_82 = arith.addi %while3A, %while3A_81 : i32
        %while3A_83 = arith.constant 1 : i32
        %while3A_84 = arith.divsi %while3A_81, %while3A_83 : i32
        %while3A_85 = arith.muli %while3A_84, %while3A_83 : i32
        %while3A_86 = arith.addi %while3A, %while3A_85 : i32
        %while3A_87 = arith.constant 1 : i32
        %while3A_88:5 = scf.for %while3A_142 = %while3A to %while3A_86 step %while3A_87 iter_args(%while3A_143 = %select_n3A_76, %while3A_144 = %while3A_77, %while3A_145 = %while3A_78, %while3A_146 = %while3A_79, %while3A_147 = %while3A_80) -> (i32, i32, i32, i32, i32)  : i32 {
          %mul3A_148 = arith.constant 1 : i32
          %mul3A_149 = arith.muli %mul3A_148, %select_n3A : i32
          %eq3A_150 = arith.constant 0 : i32
          %eq3A_151 = arith.cmpi eq, %while3A_142, %eq3A_150 : i32
          %sub3A_152 = arith.constant 1 : i32
          %sub3A_153 = arith.subi %mul3A_149, %sub3A_152 : i32
          %eq3A_154 = arith.cmpi eq, %while3A_142, %sub3A_153 : i32
          %add3A_155 = arith.addi %while3A_147, %select_n3A_14 : i32
          %sub3A_156 = arith.constant 1 : i32
          %sub3A_157 = arith.subi %while3A_147, %sub3A_156 : i32
          %select_n3A_158 = arith.constant true
          %select_n3A_159 = arith.select %select_n3A_158, %sub3A_157, %while3A_147 : i32
          %eq3A_160 = arith.constant -1 : i32
          %eq3A_161 = arith.cmpi eq, %select_n3A_159, %eq3A_160 : i32
          %sub3A_162 = arith.constant 1 : i32
          %sub3A_163 = arith.subi %select_n3A, %sub3A_162 : i32
          %select_n3A_164 = arith.select %eq3A_161, %sub3A_163, %select_n3A_159 : i32
          %add3A_165 = arith.addi %select_n3A_164, %select_n3A_14 : i32
          %add3A_166 = arith.constant 1 : i32
          %add3A_167 = arith.addi %while3A_147, %add3A_166 : i32
          %select_n3A_168 = arith.constant true
          %select_n3A_169 = arith.select %select_n3A_168, %add3A_167, %while3A_147 : i32
          %eq3A_170 = arith.cmpi eq, %select_n3A_169, %select_n3A : i32
          %select_n3A_171 = arith.constant 0 : i32
          %select_n3A_172 = arith.select %eq3A_170, %select_n3A_171, %select_n3A_169 : i32
          %add3A_173 = arith.addi %select_n3A_172, %select_n3A_14 : i32
          %add3A_174 = arith.constant 1 : i32
          %add3A_175 = arith.addi %select_n3A_172, %add3A_174 : i32
          %select_n3A_176 = arith.constant true
          %select_n3A_177 = arith.select %select_n3A_176, %add3A_175, %select_n3A_172 : i32
          %eq3A_178 = arith.cmpi eq, %select_n3A_177, %select_n3A : i32
          %select_n3A_179 = arith.constant 0 : i32
          %select_n3A_180 = arith.select %eq3A_178, %select_n3A_179, %select_n3A_177 : i32
          %add3A_181 = arith.addi %select_n3A_180, %select_n3A_14 : i32
          %ne3A = arith.cmpi ne, %add3A_155, %add3A_173 : i32
          %or3A = arith.constant false
          %or3A_182 = arith.ori %or3A, %ne3A : i1
          %sub3A_183 = arith.constant 2 : i32
          %sub3A_184 = arith.subi %mul3A_149, %sub3A_183 : i32
          %add3A_185 = arith.constant 1 : i32
          %add3A_186 = arith.addi %sub3A_184, %add3A_185 : i32
          %ge3A = arith.cmpi sge, %while3A_142, %add3A_186 : i32
          %not3A = arith.constant true
          %not3A_187 = arith.xori %ge3A, %not3A : i1
          %and3A = arith.andi %or3A_182, %not3A_187 : i1
          %convert_element_type3A_188 = arith.extui %and3A : i1 to i32
          %cond3A_189 = arith.constant 0 : i32
          %cond3A_190 = arith.cmpi ne, %convert_element_type3A_188, %cond3A_189 : i32
          scf.if %cond3A_190 {
            "tpu.trace_start"() <{level = 10 : i32, message = "ep_copy_in"}> : () -> ()
            %rem3A_294 = arith.constant 2 : i32
            %rem3A_295 = arith.remui %while3A_143, %rem3A_294 : i32
            %mul3A_296 = arith.constant 128 : i32
            %mul3A_297 = arith.muli %mul3A_296, %add3A_173 : i32
            %dma_start3A_298 = arith.constant 0 : i32
            %dma_start3A_299 = arith.constant 0 : i32
            %dma_start3A_300 = tpu.memref_slice %run_scoped3A[%rem3A_295, %dma_start3A_298, %dma_start3A_299] : memref<2x1x128xi32, #tpu.memory_space<vmem>> -> memref<1x1x128xi32, #tpu.memory_space<vmem>>
            %dma_start3A_301 = tpu.memref_squeeze %dma_start3A_300 : memref<1x1x128xi32, #tpu.memory_space<vmem>> -> memref<1x128xi32, #tpu.memory_space<vmem>>
            %dma_start3A_302 = arith.constant 0 : i32
            %dma_start3A_303 = tpu.memref_slice %arg3[%dma_start3A_302, %mul3A_297] : memref<1x1024xi32, #tpu.memory_space<hbm>> -> memref<1x128xi32, #tpu.memory_space<hbm>>
            %dma_start3A_304 = tpu.memref_slice %run_scoped3A_17[%rem3A_295] : memref<2x!tpu.dma_semaphore, #tpu.memory_space<semaphore_mem>> -> memref<1x!tpu.dma_semaphore, #tpu.memory_space<semaphore_mem>>
            %dma_start3A_305 = tpu.memref_squeeze %dma_start3A_304 : memref<1x!tpu.dma_semaphore, #tpu.memory_space<semaphore_mem>> -> memref<!tpu.dma_semaphore, #tpu.memory_space<semaphore_mem>>
            %dma_start3A_306 = arith.constant 0 : i32
            %dma_start3A_307 = arith.constant 0 : i32
            %dma_start3A_308 = tpu.memref_slice %run_scoped3A[%rem3A_295, %dma_start3A_306, %dma_start3A_307] : memref<2x1x128xi32, #tpu.memory_space<vmem>> -> memref<1x1x128xi32, #tpu.memory_space<vmem>>
            %dma_start3A_309 = tpu.memref_squeeze %dma_start3A_308 : memref<1x1x128xi32, #tpu.memory_space<vmem>> -> memref<1x128xi32, #tpu.memory_space<vmem>>
            %dma_start3A_310 = arith.constant 0 : i32
            %dma_start3A_311 = tpu.memref_slice %arg3[%dma_start3A_310, %mul3A_297] : memref<1x1024xi32, #tpu.memory_space<hbm>> -> memref<1x128xi32, #tpu.memory_space<hbm>>
            tpu.enqueue_dma source(%dma_start3A_311 : memref<1x128xi32, #tpu.memory_space<hbm>>) target(%dma_start3A_309 : memref<1x128xi32, #tpu.memory_space<vmem>>) target_semaphore(%dma_start3A_305 : memref<!tpu.dma_semaphore, #tpu.memory_space<semaphore_mem>>)
            "tpu.trace_stop"() : () -> ()
          } else {
          }
          %and3A_191 = arith.constant true
          %and3A_192 = arith.andi %and3A, %and3A_191 : i1
          %add3A_193 = arith.constant 1 : i32
          %add3A_194 = arith.addi %while3A_143, %add3A_193 : i32
          %select_n3A_195 = arith.select %and3A_192, %add3A_194, %while3A_143 : i32
          %ne3A_196 = arith.cmpi ne, %add3A_155, %add3A_173 : i32
          %or3A_197 = arith.constant false
          %or3A_198 = arith.ori %or3A_197, %ne3A_196 : i1
          %or3A_199 = arith.constant false
          %or3A_200 = arith.ori %or3A_198, %or3A_199 : i1
          %sub3A_201 = arith.constant 2 : i32
          %sub3A_202 = arith.subi %mul3A_149, %sub3A_201 : i32
          %add3A_203 = arith.constant 1 : i32
          %add3A_204 = arith.addi %sub3A_202, %add3A_203 : i32
          %ge3A_205 = arith.cmpi sge, %while3A_142, %add3A_204 : i32
          %not3A_206 = arith.constant true
          %not3A_207 = arith.xori %ge3A_205, %not3A_206 : i1
          %and3A_208 = arith.andi %or3A_200, %not3A_207 : i1
          %ne3A_209 = arith.cmpi ne, %add3A_155, %add3A_165 : i32
          %or3A_210 = arith.constant false
          %or3A_211 = arith.ori %or3A_210, %ne3A_209 : i1
          %or3A_212 = arith.ori %or3A_211, %eq3A_151 : i1
          %convert_element_type3A_213 = arith.extui %or3A_212 : i1 to i32
          %cond3A_214 = arith.constant 0 : i32
          %cond3A_215 = arith.cmpi ne, %convert_element_type3A_213, %cond3A_214 : i32
          scf.if %cond3A_215 {
            "tpu.trace_start"() <{level = 10 : i32, message = "ep_wait_in"}> : () -> ()
            %mul3A_294 = arith.constant 128 : i32
            %mul3A_295 = arith.muli %mul3A_294, %add3A_155 : i32
            %rem3A_296 = arith.constant 2 : i32
            %rem3A_297 = arith.remui %while3A_144, %rem3A_296 : i32
            %dma_wait3A = arith.constant 0 : i32
            %dma_wait3A_298 = arith.constant 0 : i32
            %dma_wait3A_299 = tpu.memref_slice %run_scoped3A[%rem3A_297, %dma_wait3A, %dma_wait3A_298] : memref<2x1x128xi32, #tpu.memory_space<vmem>> -> memref<1x1x128xi32, #tpu.memory_space<vmem>>
            %dma_wait3A_300 = tpu.memref_squeeze %dma_wait3A_299 : memref<1x1x128xi32, #tpu.memory_space<vmem>> -> memref<1x128xi32, #tpu.memory_space<vmem>>
            %dma_wait3A_301 = arith.constant 0 : i32
            %dma_wait3A_302 = tpu.memref_slice %arg3[%dma_wait3A_301, %mul3A_295] : memref<1x1024xi32, #tpu.memory_space<hbm>> -> memref<1x128xi32, #tpu.memory_space<hbm>>
            %dma_wait3A_303 = tpu.memref_slice %run_scoped3A_17[%rem3A_297] : memref<2x!tpu.dma_semaphore, #tpu.memory_space<semaphore_mem>> -> memref<1x!tpu.dma_semaphore, #tpu.memory_space<semaphore_mem>>
            %dma_wait3A_304 = tpu.memref_squeeze %dma_wait3A_303 : memref<1x!tpu.dma_semaphore, #tpu.memory_space<semaphore_mem>> -> memref<!tpu.dma_semaphore, #tpu.memory_space<semaphore_mem>>
            %dma_wait3A_305 = arith.constant 0 : i32
            %dma_wait3A_306 = arith.constant 0 : i32
            %dma_wait3A_307 = tpu.memref_slice %run_scoped3A[%rem3A_297, %dma_wait3A_305, %dma_wait3A_306] : memref<2x1x128xi32, #tpu.memory_space<vmem>> -> memref<1x1x128xi32, #tpu.memory_space<vmem>>
            %dma_wait3A_308 = tpu.memref_squeeze %dma_wait3A_307 : memref<1x1x128xi32, #tpu.memory_space<vmem>> -> memref<1x128xi32, #tpu.memory_space<vmem>>
            %dma_wait3A_309 = arith.constant 0 : i32
            %dma_wait3A_310 = tpu.memref_slice %arg3[%dma_wait3A_309, %mul3A_295] : memref<1x1024xi32, #tpu.memory_space<hbm>> -> memref<1x128xi32, #tpu.memory_space<hbm>>
            tpu.wait_dma2 semaphore(%dma_wait3A_304 : memref<!tpu.dma_semaphore, #tpu.memory_space<semaphore_mem>>) src(%dma_wait3A_310 : memref<1x128xi32, #tpu.memory_space<hbm>>) dst(%dma_wait3A_308 : memref<1x128xi32, #tpu.memory_space<vmem>>)
            "tpu.trace_stop"() : () -> ()
          } else {
          }
          %ne3A_216 = arith.cmpi ne, %add3A_155, %add3A_165 : i32
          %or3A_217 = arith.constant false
          %or3A_218 = arith.ori %or3A_217, %ne3A_216 : i1
          %or3A_219 = arith.constant false
          %or3A_220 = arith.ori %or3A_218, %or3A_219 : i1
          %or3A_221 = arith.ori %or3A_220, %eq3A_151 : i1
          %convert_element_type3A_222 = arith.extui %or3A_221 : i1 to i32
          %cond3A_223 = arith.constant 0 : i32
          %cond3A_224 = arith.cmpi ne, %convert_element_type3A_222, %cond3A_223 : i32
          scf.if %cond3A_224 {
          } else {
          }
          %rem3A_225 = arith.constant 2 : i32
          %rem3A_226 = arith.remui %while3A_144, %rem3A_225 : i32
          %rem3A_227 = arith.constant 2 : i32
          %rem3A_228 = arith.remui %while3A_145, %rem3A_227 : i32
          %run_scoped3A_229 = arith.constant 0 : i32
          "tpu.trace_start"() <{level = 10 : i32, message = "ep_run_kernel"}> : () -> ()
          "tpu.region"() ({
            %run_scoped3A_294 = tpu.sem_alloc : memref<!tpu.dma_semaphore, #tpu.memory_space<semaphore_mem>>
            %dma_start3A_295 = arith.constant 0 : i32
            %dma_start3A_296 = arith.constant 0 : i32
            %dma_start3A_297 = tpu.memref_slice %run_scoped3A_18[%rem3A_228, %dma_start3A_295, %dma_start3A_296] : memref<2x128x256xf32, #tpu.memory_space<vmem>> -> memref<1x128x256xf32, #tpu.memory_space<vmem>>
            %dma_start3A_298 = tpu.memref_squeeze %dma_start3A_297 : memref<1x128x256xf32, #tpu.memory_space<vmem>> -> memref<128x256xf32, #tpu.memory_space<vmem>>
            %dma_start3A_299 = arith.constant 0 : i32
            %dma_start3A_300 = arith.constant 0 : i32
            %dma_start3A_301 = tpu.memref_slice %run_scoped3A[%rem3A_226, %dma_start3A_299, %dma_start3A_300] : memref<2x1x128xi32, #tpu.memory_space<vmem>> -> memref<1x1x128xi32, #tpu.memory_space<vmem>>
            %dma_start3A_302 = tpu.memref_squeeze %dma_start3A_301 : memref<1x1x128xi32, #tpu.memory_space<vmem>> -> memref<1x128xi32, #tpu.memory_space<vmem>>
            %dma_start3A_303 = arith.constant 0 : i32
            %dma_start3A_304 = tpu.memref_slice %dma_start3A_302[%run_scoped3A_229, %dma_start3A_303] : memref<1x128xi32, #tpu.memory_space<vmem>> -> memref<1x128xi32, #tpu.memory_space<vmem>>
            %dma_start3A_305 = tpu.memref_squeeze %dma_start3A_304 : memref<1x128xi32, #tpu.memory_space<vmem>> -> memref<128xi32, #tpu.memory_space<vmem>>
            %dma_start3A_306 = arith.constant 0 : i32
            %dma_start3A_307 = arith.constant 0 : i32
            %dma_start3A_308 = tpu.memref_slice %arg2[%dma_start3A_306, %dma_start3A_307] : memref<8192x256xf32, #tpu.memory_space<hbm>> -> memref<8192x256xf32, #tpu.memory_space<hbm>>
            tpu.enqueue_indirect_dma source(%dma_start3A_308 : memref<8192x256xf32, #tpu.memory_space<hbm>>) target(%dma_start3A_298 : memref<128x256xf32, #tpu.memory_space<vmem>>) offsets(%dma_start3A_305 : memref<128xi32, #tpu.memory_space<vmem>>) semaphore(%run_scoped3A_294 : memref<!tpu.dma_semaphore, #tpu.memory_space<semaphore_mem>>)
            %dma_wait3A = arith.constant 0 : i32
            %dma_wait3A_309 = arith.constant 0 : i32
            %dma_wait3A_310 = tpu.memref_slice %run_scoped3A_18[%rem3A_228, %dma_wait3A, %dma_wait3A_309] : memref<2x128x256xf32, #tpu.memory_space<vmem>> -> memref<1x128x256xf32, #tpu.memory_space<vmem>>
            %dma_wait3A_311 = tpu.memref_squeeze %dma_wait3A_310 : memref<1x128x256xf32, #tpu.memory_space<vmem>> -> memref<128x256xf32, #tpu.memory_space<vmem>>
            %dma_wait3A_312 = arith.constant 0 : i32
            %dma_wait3A_313 = arith.constant 0 : i32
            %dma_wait3A_314 = tpu.memref_slice %run_scoped3A[%rem3A_226, %dma_wait3A_312, %dma_wait3A_313] : memref<2x1x128xi32, #tpu.memory_space<vmem>> -> memref<1x1x128xi32, #tpu.memory_space<vmem>>
            %dma_wait3A_315 = tpu.memref_squeeze %dma_wait3A_314 : memref<1x1x128xi32, #tpu.memory_space<vmem>> -> memref<1x128xi32, #tpu.memory_space<vmem>>
            %dma_wait3A_316 = arith.constant 0 : i32
            %dma_wait3A_317 = tpu.memref_slice %dma_wait3A_315[%run_scoped3A_229, %dma_wait3A_316] : memref<1x128xi32, #tpu.memory_space<vmem>> -> memref<1x128xi32, #tpu.memory_space<vmem>>
            %dma_wait3A_318 = tpu.memref_squeeze %dma_wait3A_317 : memref<1x128xi32, #tpu.memory_space<vmem>> -> memref<128xi32, #tpu.memory_space<vmem>>
            %dma_wait3A_319 = arith.constant 0 : i32
            %dma_wait3A_320 = arith.constant 0 : i32
            %dma_wait3A_321 = tpu.memref_slice %arg2[%dma_wait3A_319, %dma_wait3A_320] : memref<8192x256xf32, #tpu.memory_space<hbm>> -> memref<8192x256xf32, #tpu.memory_space<hbm>>
            tpu.wait_indirect_dma semaphore(%run_scoped3A_294 : memref<!tpu.dma_semaphore, #tpu.memory_space<semaphore_mem>>) src(%dma_wait3A_321 : memref<8192x256xf32, #tpu.memory_space<hbm>>) dst(%dma_wait3A_311 : memref<128x256xf32, #tpu.memory_space<vmem>>)
            tpu.yield
          }) : () -> ()
          "tpu.trace_stop"() : () -> ()
          %ne3A_230 = arith.cmpi ne, %add3A_155, %add3A_173 : i32
          %or3A_231 = arith.constant false
          %or3A_232 = arith.ori %or3A_231, %ne3A_230 : i1
          %or3A_233 = arith.ori %or3A_232, %eq3A_154 : i1
          %convert_element_type3A_234 = arith.extui %or3A_233 : i1 to i32
          %cond3A_235 = arith.constant 0 : i32
          %cond3A_236 = arith.cmpi ne, %convert_element_type3A_234, %cond3A_235 : i32
          scf.if %cond3A_236 {
          } else {
          }
          %and3A_237 = arith.constant false
          %and3A_238 = arith.andi %or3A_233, %and3A_237 : i1
          %ne3A_239 = arith.cmpi ne, %add3A_155, %add3A_173 : i32
          %or3A_240 = arith.constant false
          %or3A_241 = arith.ori %or3A_240, %ne3A_239 : i1
          %or3A_242 = arith.constant false
          %or3A_243 = arith.ori %or3A_241, %or3A_242 : i1
          %or3A_244 = arith.ori %or3A_243, %eq3A_154 : i1
          %convert_element_type3A_245 = arith.extui %or3A_244 : i1 to i32
          %cond3A_246 = arith.constant 0 : i32
          %cond3A_247 = arith.cmpi ne, %convert_element_type3A_245, %cond3A_246 : i32
          scf.if %cond3A_247 {
            "tpu.trace_start"() <{level = 10 : i32, message = "ep_copy_out"}> : () -> ()
            %rem3A_294 = arith.constant 2 : i32
            %rem3A_295 = arith.remui %while3A_145, %rem3A_294 : i32
            %mul3A_296 = arith.constant 128 : i32
            %mul3A_297 = arith.muli %mul3A_296, %add3A_155 : i32
            %dma_start3A_298 = arith.constant 0 : i32
            %dma_start3A_299 = arith.constant 0 : i32
            %dma_start3A_300 = tpu.memref_slice %run_scoped3A_18[%rem3A_295, %dma_start3A_298, %dma_start3A_299] : memref<2x128x256xf32, #tpu.memory_space<vmem>> -> memref<1x128x256xf32, #tpu.memory_space<vmem>>
            %dma_start3A_301 = tpu.memref_squeeze %dma_start3A_300 : memref<1x128x256xf32, #tpu.memory_space<vmem>> -> memref<128x256xf32, #tpu.memory_space<vmem>>
            %dma_start3A_302 = arith.constant 0 : i32
            %dma_start3A_303 = tpu.memref_slice %arg4[%mul3A_297, %dma_start3A_302] : memref<1024x256xf32, #tpu.memory_space<hbm>> -> memref<128x256xf32, #tpu.memory_space<hbm>>
            %dma_start3A_304 = tpu.memref_slice %run_scoped3A_19[%rem3A_295] : memref<2x!tpu.dma_semaphore, #tpu.memory_space<semaphore_mem>> -> memref<1x!tpu.dma_semaphore, #tpu.memory_space<semaphore_mem>>
            %dma_start3A_305 = tpu.memref_squeeze %dma_start3A_304 : memref<1x!tpu.dma_semaphore, #tpu.memory_space<semaphore_mem>> -> memref<!tpu.dma_semaphore, #tpu.memory_space<semaphore_mem>>
            %dma_start3A_306 = arith.constant 0 : i32
            %dma_start3A_307 = tpu.memref_slice %arg4[%mul3A_297, %dma_start3A_306] : memref<1024x256xf32, #tpu.memory_space<hbm>> -> memref<128x256xf32, #tpu.memory_space<hbm>>
            %dma_start3A_308 = arith.constant 0 : i32
            %dma_start3A_309 = arith.constant 0 : i32
            %dma_start3A_310 = tpu.memref_slice %run_scoped3A_18[%rem3A_295, %dma_start3A_308, %dma_start3A_309] : memref<2x128x256xf32, #tpu.memory_space<vmem>> -> memref<1x128x256xf32, #tpu.memory_space<vmem>>
            %dma_start3A_311 = tpu.memref_squeeze %dma_start3A_310 : memref<1x128x256xf32, #tpu.memory_space<vmem>> -> memref<128x256xf32, #tpu.memory_space<vmem>>
            tpu.enqueue_dma source(%dma_start3A_311 : memref<128x256xf32, #tpu.memory_space<vmem>>) target(%dma_start3A_307 : memref<128x256xf32, #tpu.memory_space<hbm>>) target_semaphore(%dma_start3A_305 : memref<!tpu.dma_semaphore, #tpu.memory_space<semaphore_mem>>)
            "tpu.trace_stop"() : () -> ()
          } else {
          }
          %and3A_248 = arith.constant true
          %and3A_249 = arith.andi %or3A_244, %and3A_248 : i1
          %add3A_250 = arith.constant 1 : i32
          %add3A_251 = arith.addi %while3A_145, %add3A_250 : i32
          %select_n3A_252 = arith.select %and3A_249, %add3A_251, %while3A_145 : i32
          %ne3A_253 = arith.cmpi ne, %add3A_155, %add3A_165 : i32
          %or3A_254 = arith.constant false
          %or3A_255 = arith.ori %or3A_254, %ne3A_253 : i1
          %not3A_256 = arith.constant true
          %not3A_257 = arith.xori %eq3A_151, %not3A_256 : i1
          %and3A_258 = arith.andi %or3A_255, %not3A_257 : i1
          %convert_element_type3A_259 = arith.extui %and3A_258 : i1 to i32
          %cond3A_260 = arith.constant 0 : i32
          %cond3A_261 = arith.cmpi ne, %convert_element_type3A_259, %cond3A_260 : i32
          scf.if %cond3A_261 {
          } else {
          }
          %and3A_262 = arith.constant false
          %and3A_263 = arith.andi %and3A_258, %and3A_262 : i1
          %ne3A_264 = arith.cmpi ne, %add3A_155, %add3A_165 : i32
          %or3A_265 = arith.constant false
          %or3A_266 = arith.ori %or3A_265, %ne3A_264 : i1
          %or3A_267 = arith.constant false
          %or3A_268 = arith.ori %or3A_266, %or3A_267 : i1
          %not3A_269 = arith.constant true
          %not3A_270 = arith.xori %eq3A_151, %not3A_269 : i1
          %and3A_271 = arith.andi %or3A_268, %not3A_270 : i1
          %convert_element_type3A_272 = arith.extui %and3A_271 : i1 to i32
          %cond3A_273 = arith.constant 0 : i32
          %cond3A_274 = arith.cmpi ne, %convert_element_type3A_272, %cond3A_273 : i32
          scf.if %cond3A_274 {
            "tpu.trace_start"() <{level = 10 : i32, message = "ep_wait_out"}> : () -> ()
            %rem3A_294 = arith.constant 2 : i32
            %rem3A_295 = arith.remui %while3A_146, %rem3A_294 : i32
            %mul3A_296 = arith.constant 128 : i32
            %mul3A_297 = arith.muli %mul3A_296, %add3A_165 : i32
            %dma_wait3A = arith.constant 0 : i32
            %dma_wait3A_298 = arith.constant 0 : i32
            %dma_wait3A_299 = tpu.memref_slice %run_scoped3A_18[%rem3A_295, %dma_wait3A, %dma_wait3A_298] : memref<2x128x256xf32, #tpu.memory_space<vmem>> -> memref<1x128x256xf32, #tpu.memory_space<vmem>>
            %dma_wait3A_300 = tpu.memref_squeeze %dma_wait3A_299 : memref<1x128x256xf32, #tpu.memory_space<vmem>> -> memref<128x256xf32, #tpu.memory_space<vmem>>
            %dma_wait3A_301 = arith.constant 0 : i32
            %dma_wait3A_302 = tpu.memref_slice %arg4[%mul3A_297, %dma_wait3A_301] : memref<1024x256xf32, #tpu.memory_space<hbm>> -> memref<128x256xf32, #tpu.memory_space<hbm>>
            %dma_wait3A_303 = tpu.memref_slice %run_scoped3A_19[%rem3A_295] : memref<2x!tpu.dma_semaphore, #tpu.memory_space<semaphore_mem>> -> memref<1x!tpu.dma_semaphore, #tpu.memory_space<semaphore_mem>>
            %dma_wait3A_304 = tpu.memref_squeeze %dma_wait3A_303 : memref<1x!tpu.dma_semaphore, #tpu.memory_space<semaphore_mem>> -> memref<!tpu.dma_semaphore, #tpu.memory_space<semaphore_mem>>
            %dma_wait3A_305 = arith.constant 0 : i32
            %dma_wait3A_306 = tpu.memref_slice %arg4[%mul3A_297, %dma_wait3A_305] : memref<1024x256xf32, #tpu.memory_space<hbm>> -> memref<128x256xf32, #tpu.memory_space<hbm>>
            %dma_wait3A_307 = arith.constant 0 : i32
            %dma_wait3A_308 = arith.constant 0 : i32
            %dma_wait3A_309 = tpu.memref_slice %run_scoped3A_18[%rem3A_295, %dma_wait3A_307, %dma_wait3A_308] : memref<2x128x256xf32, #tpu.memory_space<vmem>> -> memref<1x128x256xf32, #tpu.memory_space<vmem>>
            %dma_wait3A_310 = tpu.memref_squeeze %dma_wait3A_309 : memref<1x128x256xf32, #tpu.memory_space<vmem>> -> memref<128x256xf32, #tpu.memory_space<vmem>>
            tpu.wait_dma2 semaphore(%dma_wait3A_304 : memref<!tpu.dma_semaphore, #tpu.memory_space<semaphore_mem>>) src(%dma_wait3A_310 : memref<128x256xf32, #tpu.memory_space<vmem>>) dst(%dma_wait3A_306 : memref<128x256xf32, #tpu.memory_space<hbm>>)
            "tpu.trace_stop"() : () -> ()
          } else {
          }
          %and3A_275 = arith.constant true
          %and3A_276 = arith.andi %and3A_271, %and3A_275 : i1
          %add3A_277 = arith.constant 1 : i32
          %add3A_278 = arith.addi %while3A_146, %add3A_277 : i32
          %select_n3A_279 = arith.select %and3A_276, %add3A_278, %while3A_146 : i32
          %ne3A_280 = arith.cmpi ne, %add3A_155, %add3A_173 : i32
          %or3A_281 = arith.constant false
          %or3A_282 = arith.ori %or3A_281, %ne3A_280 : i1
          %or3A_283 = arith.ori %or3A_282, %eq3A_154 : i1
          %add3A_284 = arith.constant 1 : i32
          %add3A_285 = arith.addi %while3A_144, %add3A_284 : i32
          %select_n3A_286 = arith.select %or3A_283, %add3A_285, %while3A_144 : i32
          %add3A_287 = arith.constant 1 : i32
          %add3A_288 = arith.addi %while3A_147, %add3A_287 : i32
          %select_n3A_289 = arith.constant true
          %select_n3A_290 = arith.select %select_n3A_289, %add3A_288, %while3A_147 : i32
          %eq3A_291 = arith.cmpi eq, %select_n3A_290, %select_n3A : i32
          %select_n3A_292 = arith.constant 0 : i32
          %select_n3A_293 = arith.select %eq3A_291, %select_n3A_292, %select_n3A_290 : i32
          scf.yield %select_n3A_195, %select_n3A_286, %select_n3A_252, %select_n3A_279, %select_n3A_293 : i32, i32, i32, i32, i32
        }
        %while3A_89 = arith.constant 1 : i32
        %while3A_90:5 = scf.for %while3A_142 = %while3A_86 to %while3A_82 step %while3A_89 iter_args(%while3A_143 = %while3A_88#0, %while3A_144 = %while3A_88#1, %while3A_145 = %while3A_88#2, %while3A_146 = %while3A_88#3, %while3A_147 = %while3A_88#4) -> (i32, i32, i32, i32, i32)  : i32 {
          %mul3A_148 = arith.constant 1 : i32
          %mul3A_149 = arith.muli %mul3A_148, %select_n3A : i32
          %eq3A_150 = arith.constant 0 : i32
          %eq3A_151 = arith.cmpi eq, %while3A_142, %eq3A_150 : i32
          %sub3A_152 = arith.constant 1 : i32
          %sub3A_153 = arith.subi %mul3A_149, %sub3A_152 : i32
          %eq3A_154 = arith.cmpi eq, %while3A_142, %sub3A_153 : i32
          %add3A_155 = arith.addi %while3A_147, %select_n3A_14 : i32
          %sub3A_156 = arith.constant 1 : i32
          %sub3A_157 = arith.subi %while3A_147, %sub3A_156 : i32
          %select_n3A_158 = arith.constant true
          %select_n3A_159 = arith.select %select_n3A_158, %sub3A_157, %while3A_147 : i32
          %eq3A_160 = arith.constant -1 : i32
          %eq3A_161 = arith.cmpi eq, %select_n3A_159, %eq3A_160 : i32
          %sub3A_162 = arith.constant 1 : i32
          %sub3A_163 = arith.subi %select_n3A, %sub3A_162 : i32
          %select_n3A_164 = arith.select %eq3A_161, %sub3A_163, %select_n3A_159 : i32
          %add3A_165 = arith.addi %select_n3A_164, %select_n3A_14 : i32
          %add3A_166 = arith.constant 1 : i32
          %add3A_167 = arith.addi %while3A_147, %add3A_166 : i32
          %select_n3A_168 = arith.constant true
          %select_n3A_169 = arith.select %select_n3A_168, %add3A_167, %while3A_147 : i32
          %eq3A_170 = arith.cmpi eq, %select_n3A_169, %select_n3A : i32
          %select_n3A_171 = arith.constant 0 : i32
          %select_n3A_172 = arith.select %eq3A_170, %select_n3A_171, %select_n3A_169 : i32
          %add3A_173 = arith.addi %select_n3A_172, %select_n3A_14 : i32
          %add3A_174 = arith.constant 1 : i32
          %add3A_175 = arith.addi %select_n3A_172, %add3A_174 : i32
          %select_n3A_176 = arith.constant true
          %select_n3A_177 = arith.select %select_n3A_176, %add3A_175, %select_n3A_172 : i32
          %eq3A_178 = arith.cmpi eq, %select_n3A_177, %select_n3A : i32
          %select_n3A_179 = arith.constant 0 : i32
          %select_n3A_180 = arith.select %eq3A_178, %select_n3A_179, %select_n3A_177 : i32
          %add3A_181 = arith.addi %select_n3A_180, %select_n3A_14 : i32
          %ne3A = arith.cmpi ne, %add3A_155, %add3A_173 : i32
          %or3A = arith.constant false
          %or3A_182 = arith.ori %or3A, %ne3A : i1
          %sub3A_183 = arith.constant 2 : i32
          %sub3A_184 = arith.subi %mul3A_149, %sub3A_183 : i32
          %add3A_185 = arith.constant 1 : i32
          %add3A_186 = arith.addi %sub3A_184, %add3A_185 : i32
          %ge3A = arith.cmpi sge, %while3A_142, %add3A_186 : i32
          %not3A = arith.constant true
          %not3A_187 = arith.xori %ge3A, %not3A : i1
          %and3A = arith.andi %or3A_182, %not3A_187 : i1
          %convert_element_type3A_188 = arith.extui %and3A : i1 to i32
          %cond3A_189 = arith.constant 0 : i32
          %cond3A_190 = arith.cmpi ne, %convert_element_type3A_188, %cond3A_189 : i32
          scf.if %cond3A_190 {
            "tpu.trace_start"() <{level = 10 : i32, message = "ep_copy_in"}> : () -> ()
            %rem3A_294 = arith.constant 2 : i32
            %rem3A_295 = arith.remui %while3A_143, %rem3A_294 : i32
            %mul3A_296 = arith.constant 128 : i32
            %mul3A_297 = arith.muli %mul3A_296, %add3A_173 : i32
            %dma_start3A_298 = arith.constant 0 : i32
            %dma_start3A_299 = arith.constant 0 : i32
            %dma_start3A_300 = tpu.memref_slice %run_scoped3A[%rem3A_295, %dma_start3A_298, %dma_start3A_299] : memref<2x1x128xi32, #tpu.memory_space<vmem>> -> memref<1x1x128xi32, #tpu.memory_space<vmem>>
            %dma_start3A_301 = tpu.memref_squeeze %dma_start3A_300 : memref<1x1x128xi32, #tpu.memory_space<vmem>> -> memref<1x128xi32, #tpu.memory_space<vmem>>
            %dma_start3A_302 = arith.constant 0 : i32
            %dma_start3A_303 = tpu.memref_slice %arg3[%dma_start3A_302, %mul3A_297] : memref<1x1024xi32, #tpu.memory_space<hbm>> -> memref<1x128xi32, #tpu.memory_space<hbm>>
            %dma_start3A_304 = tpu.memref_slice %run_scoped3A_17[%rem3A_295] : memref<2x!tpu.dma_semaphore, #tpu.memory_space<semaphore_mem>> -> memref<1x!tpu.dma_semaphore, #tpu.memory_space<semaphore_mem>>
            %dma_start3A_305 = tpu.memref_squeeze %dma_start3A_304 : memref<1x!tpu.dma_semaphore, #tpu.memory_space<semaphore_mem>> -> memref<!tpu.dma_semaphore, #tpu.memory_space<semaphore_mem>>
            %dma_start3A_306 = arith.constant 0 : i32
            %dma_start3A_307 = arith.constant 0 : i32
            %dma_start3A_308 = tpu.memref_slice %run_scoped3A[%rem3A_295, %dma_start3A_306, %dma_start3A_307] : memref<2x1x128xi32, #tpu.memory_space<vmem>> -> memref<1x1x128xi32, #tpu.memory_space<vmem>>
            %dma_start3A_309 = tpu.memref_squeeze %dma_start3A_308 : memref<1x1x128xi32, #tpu.memory_space<vmem>> -> memref<1x128xi32, #tpu.memory_space<vmem>>
            %dma_start3A_310 = arith.constant 0 : i32
            %dma_start3A_311 = tpu.memref_slice %arg3[%dma_start3A_310, %mul3A_297] : memref<1x1024xi32, #tpu.memory_space<hbm>> -> memref<1x128xi32, #tpu.memory_space<hbm>>
            tpu.enqueue_dma source(%dma_start3A_311 : memref<1x128xi32, #tpu.memory_space<hbm>>) target(%dma_start3A_309 : memref<1x128xi32, #tpu.memory_space<vmem>>) target_semaphore(%dma_start3A_305 : memref<!tpu.dma_semaphore, #tpu.memory_space<semaphore_mem>>)
            "tpu.trace_stop"() : () -> ()
          } else {
          }
          %and3A_191 = arith.constant true
          %and3A_192 = arith.andi %and3A, %and3A_191 : i1
          %add3A_193 = arith.constant 1 : i32
          %add3A_194 = arith.addi %while3A_143, %add3A_193 : i32
          %select_n3A_195 = arith.select %and3A_192, %add3A_194, %while3A_143 : i32
          %ne3A_196 = arith.cmpi ne, %add3A_155, %add3A_173 : i32
          %or3A_197 = arith.constant false
          %or3A_198 = arith.ori %or3A_197, %ne3A_196 : i1
          %or3A_199 = arith.constant false
          %or3A_200 = arith.ori %or3A_198, %or3A_199 : i1
          %sub3A_201 = arith.constant 2 : i32
          %sub3A_202 = arith.subi %mul3A_149, %sub3A_201 : i32
          %add3A_203 = arith.constant 1 : i32
          %add3A_204 = arith.addi %sub3A_202, %add3A_203 : i32
          %ge3A_205 = arith.cmpi sge, %while3A_142, %add3A_204 : i32
          %not3A_206 = arith.constant true
          %not3A_207 = arith.xori %ge3A_205, %not3A_206 : i1
          %and3A_208 = arith.andi %or3A_200, %not3A_207 : i1
          %ne3A_209 = arith.cmpi ne, %add3A_155, %add3A_165 : i32
          %or3A_210 = arith.constant false
          %or3A_211 = arith.ori %or3A_210, %ne3A_209 : i1
          %or3A_212 = arith.ori %or3A_211, %eq3A_151 : i1
          %convert_element_type3A_213 = arith.extui %or3A_212 : i1 to i32
          %cond3A_214 = arith.constant 0 : i32
          %cond3A_215 = arith.cmpi ne, %convert_element_type3A_213, %cond3A_214 : i32
          scf.if %cond3A_215 {
            "tpu.trace_start"() <{level = 10 : i32, message = "ep_wait_in"}> : () -> ()
            %mul3A_294 = arith.constant 128 : i32
            %mul3A_295 = arith.muli %mul3A_294, %add3A_155 : i32
            %rem3A_296 = arith.constant 2 : i32
            %rem3A_297 = arith.remui %while3A_144, %rem3A_296 : i32
            %dma_wait3A = arith.constant 0 : i32
            %dma_wait3A_298 = arith.constant 0 : i32
            %dma_wait3A_299 = tpu.memref_slice %run_scoped3A[%rem3A_297, %dma_wait3A, %dma_wait3A_298] : memref<2x1x128xi32, #tpu.memory_space<vmem>> -> memref<1x1x128xi32, #tpu.memory_space<vmem>>
            %dma_wait3A_300 = tpu.memref_squeeze %dma_wait3A_299 : memref<1x1x128xi32, #tpu.memory_space<vmem>> -> memref<1x128xi32, #tpu.memory_space<vmem>>
            %dma_wait3A_301 = arith.constant 0 : i32
            %dma_wait3A_302 = tpu.memref_slice %arg3[%dma_wait3A_301, %mul3A_295] : memref<1x1024xi32, #tpu.memory_space<hbm>> -> memref<1x128xi32, #tpu.memory_space<hbm>>
            %dma_wait3A_303 = tpu.memref_slice %run_scoped3A_17[%rem3A_297] : memref<2x!tpu.dma_semaphore, #tpu.memory_space<semaphore_mem>> -> memref<1x!tpu.dma_semaphore, #tpu.memory_space<semaphore_mem>>
            %dma_wait3A_304 = tpu.memref_squeeze %dma_wait3A_303 : memref<1x!tpu.dma_semaphore, #tpu.memory_space<semaphore_mem>> -> memref<!tpu.dma_semaphore, #tpu.memory_space<semaphore_mem>>
            %dma_wait3A_305 = arith.constant 0 : i32
            %dma_wait3A_306 = arith.constant 0 : i32
            %dma_wait3A_307 = tpu.memref_slice %run_scoped3A[%rem3A_297, %dma_wait3A_305, %dma_wait3A_306] : memref<2x1x128xi32, #tpu.memory_space<vmem>> -> memref<1x1x128xi32, #tpu.memory_space<vmem>>
            %dma_wait3A_308 = tpu.memref_squeeze %dma_wait3A_307 : memref<1x1x128xi32, #tpu.memory_space<vmem>> -> memref<1x128xi32, #tpu.memory_space<vmem>>
            %dma_wait3A_309 = arith.constant 0 : i32
            %dma_wait3A_310 = tpu.memref_slice %arg3[%dma_wait3A_309, %mul3A_295] : memref<1x1024xi32, #tpu.memory_space<hbm>> -> memref<1x128xi32, #tpu.memory_space<hbm>>
            tpu.wait_dma2 semaphore(%dma_wait3A_304 : memref<!tpu.dma_semaphore, #tpu.memory_space<semaphore_mem>>) src(%dma_wait3A_310 : memref<1x128xi32, #tpu.memory_space<hbm>>) dst(%dma_wait3A_308 : memref<1x128xi32, #tpu.memory_space<vmem>>)
            "tpu.trace_stop"() : () -> ()
          } else {
          }
          %ne3A_216 = arith.cmpi ne, %add3A_155, %add3A_165 : i32
          %or3A_217 = arith.constant false
          %or3A_218 = arith.ori %or3A_217, %ne3A_216 : i1
          %or3A_219 = arith.constant false
          %or3A_220 = arith.ori %or3A_218, %or3A_219 : i1
          %or3A_221 = arith.ori %or3A_220, %eq3A_151 : i1
          %convert_element_type3A_222 = arith.extui %or3A_221 : i1 to i32
          %cond3A_223 = arith.constant 0 : i32
          %cond3A_224 = arith.cmpi ne, %convert_element_type3A_222, %cond3A_223 : i32
          scf.if %cond3A_224 {
          } else {
          }
          %rem3A_225 = arith.constant 2 : i32
          %rem3A_226 = arith.remui %while3A_144, %rem3A_225 : i32
          %rem3A_227 = arith.constant 2 : i32
          %rem3A_228 = arith.remui %while3A_145, %rem3A_227 : i32
          %run_scoped3A_229 = arith.constant 0 : i32
          "tpu.trace_start"() <{level = 10 : i32, message = "ep_run_kernel"}> : () -> ()
          "tpu.region"() ({
            %run_scoped3A_294 = tpu.sem_alloc : memref<!tpu.dma_semaphore, #tpu.memory_space<semaphore_mem>>
            %dma_start3A_295 = arith.constant 0 : i32
            %dma_start3A_296 = arith.constant 0 : i32
            %dma_start3A_297 = tpu.memref_slice %run_scoped3A_18[%rem3A_228, %dma_start3A_295, %dma_start3A_296] : memref<2x128x256xf32, #tpu.memory_space<vmem>> -> memref<1x128x256xf32, #tpu.memory_space<vmem>>
            %dma_start3A_298 = tpu.memref_squeeze %dma_start3A_297 : memref<1x128x256xf32, #tpu.memory_space<vmem>> -> memref<128x256xf32, #tpu.memory_space<vmem>>
            %dma_start3A_299 = arith.constant 0 : i32
            %dma_start3A_300 = arith.constant 0 : i32
            %dma_start3A_301 = tpu.memref_slice %run_scoped3A[%rem3A_226, %dma_start3A_299, %dma_start3A_300] : memref<2x1x128xi32, #tpu.memory_space<vmem>> -> memref<1x1x128xi32, #tpu.memory_space<vmem>>
            %dma_start3A_302 = tpu.memref_squeeze %dma_start3A_301 : memref<1x1x128xi32, #tpu.memory_space<vmem>> -> memref<1x128xi32, #tpu.memory_space<vmem>>
            %dma_start3A_303 = arith.constant 0 : i32
            %dma_start3A_304 = tpu.memref_slice %dma_start3A_302[%run_scoped3A_229, %dma_start3A_303] : memref<1x128xi32, #tpu.memory_space<vmem>> -> memref<1x128xi32, #tpu.memory_space<vmem>>
            %dma_start3A_305 = tpu.memref_squeeze %dma_start3A_304 : memref<1x128xi32, #tpu.memory_space<vmem>> -> memref<128xi32, #tpu.memory_space<vmem>>
            %dma_start3A_306 = arith.constant 0 : i32
            %dma_start3A_307 = arith.constant 0 : i32
            %dma_start3A_308 = tpu.memref_slice %arg2[%dma_start3A_306, %dma_start3A_307] : memref<8192x256xf32, #tpu.memory_space<hbm>> -> memref<8192x256xf32, #tpu.memory_space<hbm>>
            tpu.enqueue_indirect_dma source(%dma_start3A_308 : memref<8192x256xf32, #tpu.memory_space<hbm>>) target(%dma_start3A_298 : memref<128x256xf32, #tpu.memory_space<vmem>>) offsets(%dma_start3A_305 : memref<128xi32, #tpu.memory_space<vmem>>) semaphore(%run_scoped3A_294 : memref<!tpu.dma_semaphore, #tpu.memory_space<semaphore_mem>>)
            %dma_wait3A = arith.constant 0 : i32
            %dma_wait3A_309 = arith.constant 0 : i32
            %dma_wait3A_310 = tpu.memref_slice %run_scoped3A_18[%rem3A_228, %dma_wait3A, %dma_wait3A_309] : memref<2x128x256xf32, #tpu.memory_space<vmem>> -> memref<1x128x256xf32, #tpu.memory_space<vmem>>
            %dma_wait3A_311 = tpu.memref_squeeze %dma_wait3A_310 : memref<1x128x256xf32, #tpu.memory_space<vmem>> -> memref<128x256xf32, #tpu.memory_space<vmem>>
            %dma_wait3A_312 = arith.constant 0 : i32
            %dma_wait3A_313 = arith.constant 0 : i32
            %dma_wait3A_314 = tpu.memref_slice %run_scoped3A[%rem3A_226, %dma_wait3A_312, %dma_wait3A_313] : memref<2x1x128xi32, #tpu.memory_space<vmem>> -> memref<1x1x128xi32, #tpu.memory_space<vmem>>
            %dma_wait3A_315 = tpu.memref_squeeze %dma_wait3A_314 : memref<1x1x128xi32, #tpu.memory_space<vmem>> -> memref<1x128xi32, #tpu.memory_space<vmem>>
            %dma_wait3A_316 = arith.constant 0 : i32
            %dma_wait3A_317 = tpu.memref_slice %dma_wait3A_315[%run_scoped3A_229, %dma_wait3A_316] : memref<1x128xi32, #tpu.memory_space<vmem>> -> memref<1x128xi32, #tpu.memory_space<vmem>>
            %dma_wait3A_318 = tpu.memref_squeeze %dma_wait3A_317 : memref<1x128xi32, #tpu.memory_space<vmem>> -> memref<128xi32, #tpu.memory_space<vmem>>
            %dma_wait3A_319 = arith.constant 0 : i32
            %dma_wait3A_320 = arith.constant 0 : i32
            %dma_wait3A_321 = tpu.memref_slice %arg2[%dma_wait3A_319, %dma_wait3A_320] : memref<8192x256xf32, #tpu.memory_space<hbm>> -> memref<8192x256xf32, #tpu.memory_space<hbm>>
            tpu.wait_indirect_dma semaphore(%run_scoped3A_294 : memref<!tpu.dma_semaphore, #tpu.memory_space<semaphore_mem>>) src(%dma_wait3A_321 : memref<8192x256xf32, #tpu.memory_space<hbm>>) dst(%dma_wait3A_311 : memref<128x256xf32, #tpu.memory_space<vmem>>)
            tpu.yield
          }) : () -> ()
          "tpu.trace_stop"() : () -> ()
          %ne3A_230 = arith.cmpi ne, %add3A_155, %add3A_173 : i32
          %or3A_231 = arith.constant false
          %or3A_232 = arith.ori %or3A_231, %ne3A_230 : i1
          %or3A_233 = arith.ori %or3A_232, %eq3A_154 : i1
          %convert_element_type3A_234 = arith.extui %or3A_233 : i1 to i32
          %cond3A_235 = arith.constant 0 : i32
          %cond3A_236 = arith.cmpi ne, %convert_element_type3A_234, %cond3A_235 : i32
          scf.if %cond3A_236 {
          } else {
          }
          %and3A_237 = arith.constant false
          %and3A_238 = arith.andi %or3A_233, %and3A_237 : i1
          %ne3A_239 = arith.cmpi ne, %add3A_155, %add3A_173 : i32
          %or3A_240 = arith.constant false
          %or3A_241 = arith.ori %or3A_240, %ne3A_239 : i1
          %or3A_242 = arith.constant false
          %or3A_243 = arith.ori %or3A_241, %or3A_242 : i1
          %or3A_244 = arith.ori %or3A_243, %eq3A_154 : i1
          %convert_element_type3A_245 = arith.extui %or3A_244 : i1 to i32
          %cond3A_246 = arith.constant 0 : i32
          %cond3A_247 = arith.cmpi ne, %convert_element_type3A_245, %cond3A_246 : i32
          scf.if %cond3A_247 {
            "tpu.trace_start"() <{level = 10 : i32, message = "ep_copy_out"}> : () -> ()
            %rem3A_294 = arith.constant 2 : i32
            %rem3A_295 = arith.remui %while3A_145, %rem3A_294 : i32
            %mul3A_296 = arith.constant 128 : i32
            %mul3A_297 = arith.muli %mul3A_296, %add3A_155 : i32
            %dma_start3A_298 = arith.constant 0 : i32
            %dma_start3A_299 = arith.constant 0 : i32
            %dma_start3A_300 = tpu.memref_slice %run_scoped3A_18[%rem3A_295, %dma_start3A_298, %dma_start3A_299] : memref<2x128x256xf32, #tpu.memory_space<vmem>> -> memref<1x128x256xf32, #tpu.memory_space<vmem>>
            %dma_start3A_301 = tpu.memref_squeeze %dma_start3A_300 : memref<1x128x256xf32, #tpu.memory_space<vmem>> -> memref<128x256xf32, #tpu.memory_space<vmem>>
            %dma_start3A_302 = arith.constant 0 : i32
            %dma_start3A_303 = tpu.memref_slice %arg4[%mul3A_297, %dma_start3A_302] : memref<1024x256xf32, #tpu.memory_space<hbm>> -> memref<128x256xf32, #tpu.memory_space<hbm>>
            %dma_start3A_304 = tpu.memref_slice %run_scoped3A_19[%rem3A_295] : memref<2x!tpu.dma_semaphore, #tpu.memory_space<semaphore_mem>> -> memref<1x!tpu.dma_semaphore, #tpu.memory_space<semaphore_mem>>
            %dma_start3A_305 = tpu.memref_squeeze %dma_start3A_304 : memref<1x!tpu.dma_semaphore, #tpu.memory_space<semaphore_mem>> -> memref<!tpu.dma_semaphore, #tpu.memory_space<semaphore_mem>>
            %dma_start3A_306 = arith.constant 0 : i32
            %dma_start3A_307 = tpu.memref_slice %arg4[%mul3A_297, %dma_start3A_306] : memref<1024x256xf32, #tpu.memory_space<hbm>> -> memref<128x256xf32, #tpu.memory_space<hbm>>
            %dma_start3A_308 = arith.constant 0 : i32
            %dma_start3A_309 = arith.constant 0 : i32
            %dma_start3A_310 = tpu.memref_slice %run_scoped3A_18[%rem3A_295, %dma_start3A_308, %dma_start3A_309] : memref<2x128x256xf32, #tpu.memory_space<vmem>> -> memref<1x128x256xf32, #tpu.memory_space<vmem>>
            %dma_start3A_311 = tpu.memref_squeeze %dma_start3A_310 : memref<1x128x256xf32, #tpu.memory_space<vmem>> -> memref<128x256xf32, #tpu.memory_space<vmem>>
            tpu.enqueue_dma source(%dma_start3A_311 : memref<128x256xf32, #tpu.memory_space<vmem>>) target(%dma_start3A_307 : memref<128x256xf32, #tpu.memory_space<hbm>>) target_semaphore(%dma_start3A_305 : memref<!tpu.dma_semaphore, #tpu.memory_space<semaphore_mem>>)
            "tpu.trace_stop"() : () -> ()
          } else {
          }
          %and3A_248 = arith.constant true
          %and3A_249 = arith.andi %or3A_244, %and3A_248 : i1
          %add3A_250 = arith.constant 1 : i32
          %add3A_251 = arith.addi %while3A_145, %add3A_250 : i32
          %select_n3A_252 = arith.select %and3A_249, %add3A_251, %while3A_145 : i32
          %ne3A_253 = arith.cmpi ne, %add3A_155, %add3A_165 : i32
          %or3A_254 = arith.constant false
          %or3A_255 = arith.ori %or3A_254, %ne3A_253 : i1
          %not3A_256 = arith.constant true
          %not3A_257 = arith.xori %eq3A_151, %not3A_256 : i1
          %and3A_258 = arith.andi %or3A_255, %not3A_257 : i1
          %convert_element_type3A_259 = arith.extui %and3A_258 : i1 to i32
          %cond3A_260 = arith.constant 0 : i32
          %cond3A_261 = arith.cmpi ne, %convert_element_type3A_259, %cond3A_260 : i32
          scf.if %cond3A_261 {
          } else {
          }
          %and3A_262 = arith.constant false
          %and3A_263 = arith.andi %and3A_258, %and3A_262 : i1
          %ne3A_264 = arith.cmpi ne, %add3A_155, %add3A_165 : i32
          %or3A_265 = arith.constant false
          %or3A_266 = arith.ori %or3A_265, %ne3A_264 : i1
          %or3A_267 = arith.constant false
          %or3A_268 = arith.ori %or3A_266, %or3A_267 : i1
          %not3A_269 = arith.constant true
          %not3A_270 = arith.xori %eq3A_151, %not3A_269 : i1
          %and3A_271 = arith.andi %or3A_268, %not3A_270 : i1
          %convert_element_type3A_272 = arith.extui %and3A_271 : i1 to i32
          %cond3A_273 = arith.constant 0 : i32
          %cond3A_274 = arith.cmpi ne, %convert_element_type3A_272, %cond3A_273 : i32
          scf.if %cond3A_274 {
            "tpu.trace_start"() <{level = 10 : i32, message = "ep_wait_out"}> : () -> ()
            %rem3A_294 = arith.constant 2 : i32
            %rem3A_295 = arith.remui %while3A_146, %rem3A_294 : i32
            %mul3A_296 = arith.constant 128 : i32
            %mul3A_297 = arith.muli %mul3A_296, %add3A_165 : i32
            %dma_wait3A = arith.constant 0 : i32
            %dma_wait3A_298 = arith.constant 0 : i32
            %dma_wait3A_299 = tpu.memref_slice %run_scoped3A_18[%rem3A_295, %dma_wait3A, %dma_wait3A_298] : memref<2x128x256xf32, #tpu.memory_space<vmem>> -> memref<1x128x256xf32, #tpu.memory_space<vmem>>
            %dma_wait3A_300 = tpu.memref_squeeze %dma_wait3A_299 : memref<1x128x256xf32, #tpu.memory_space<vmem>> -> memref<128x256xf32, #tpu.memory_space<vmem>>
            %dma_wait3A_301 = arith.constant 0 : i32
            %dma_wait3A_302 = tpu.memref_slice %arg4[%mul3A_297, %dma_wait3A_301] : memref<1024x256xf32, #tpu.memory_space<hbm>> -> memref<128x256xf32, #tpu.memory_space<hbm>>
            %dma_wait3A_303 = tpu.memref_slice %run_scoped3A_19[%rem3A_295] : memref<2x!tpu.dma_semaphore, #tpu.memory_space<semaphore_mem>> -> memref<1x!tpu.dma_semaphore, #tpu.memory_space<semaphore_mem>>
            %dma_wait3A_304 = tpu.memref_squeeze %dma_wait3A_303 : memref<1x!tpu.dma_semaphore, #tpu.memory_space<semaphore_mem>> -> memref<!tpu.dma_semaphore, #tpu.memory_space<semaphore_mem>>
            %dma_wait3A_305 = arith.constant 0 : i32
            %dma_wait3A_306 = tpu.memref_slice %arg4[%mul3A_297, %dma_wait3A_305] : memref<1024x256xf32, #tpu.memory_space<hbm>> -> memref<128x256xf32, #tpu.memory_space<hbm>>
            %dma_wait3A_307 = arith.constant 0 : i32
            %dma_wait3A_308 = arith.constant 0 : i32
            %dma_wait3A_309 = tpu.memref_slice %run_scoped3A_18[%rem3A_295, %dma_wait3A_307, %dma_wait3A_308] : memref<2x128x256xf32, #tpu.memory_space<vmem>> -> memref<1x128x256xf32, #tpu.memory_space<vmem>>
            %dma_wait3A_310 = tpu.memref_squeeze %dma_wait3A_309 : memref<1x128x256xf32, #tpu.memory_space<vmem>> -> memref<128x256xf32, #tpu.memory_space<vmem>>
            tpu.wait_dma2 semaphore(%dma_wait3A_304 : memref<!tpu.dma_semaphore, #tpu.memory_space<semaphore_mem>>) src(%dma_wait3A_310 : memref<128x256xf32, #tpu.memory_space<vmem>>) dst(%dma_wait3A_306 : memref<128x256xf32, #tpu.memory_space<hbm>>)
            "tpu.trace_stop"() : () -> ()
          } else {
          }
          %and3A_275 = arith.constant true
          %and3A_276 = arith.andi %and3A_271, %and3A_275 : i1
          %add3A_277 = arith.constant 1 : i32
          %add3A_278 = arith.addi %while3A_146, %add3A_277 : i32
          %select_n3A_279 = arith.select %and3A_276, %add3A_278, %while3A_146 : i32
          %ne3A_280 = arith.cmpi ne, %add3A_155, %add3A_173 : i32
          %or3A_281 = arith.constant false
          %or3A_282 = arith.ori %or3A_281, %ne3A_280 : i1
          %or3A_283 = arith.ori %or3A_282, %eq3A_154 : i1
          %add3A_284 = arith.constant 1 : i32
          %add3A_285 = arith.addi %while3A_144, %add3A_284 : i32
          %select_n3A_286 = arith.select %or3A_283, %add3A_285, %while3A_144 : i32
          %add3A_287 = arith.constant 1 : i32
          %add3A_288 = arith.addi %while3A_147, %add3A_287 : i32
          %select_n3A_289 = arith.constant true
          %select_n3A_290 = arith.select %select_n3A_289, %add3A_288, %while3A_147 : i32
          %eq3A_291 = arith.cmpi eq, %select_n3A_290, %select_n3A : i32
          %select_n3A_292 = arith.constant 0 : i32
          %select_n3A_293 = arith.select %eq3A_291, %select_n3A_292, %select_n3A_290 : i32
          scf.yield %select_n3A_195, %select_n3A_286, %select_n3A_252, %select_n3A_279, %select_n3A_293 : i32, i32, i32, i32, i32
        }
        %sub3A_91 = arith.constant 1 : i32
        %sub3A_92 = arith.subi %while3A_90#4, %sub3A_91 : i32
        %select_n3A_93 = arith.constant true
        %select_n3A_94 = arith.select %select_n3A_93, %sub3A_92, %while3A_90#4 : i32
        %eq3A_95 = arith.constant -1 : i32
        %eq3A_96 = arith.cmpi eq, %select_n3A_94, %eq3A_95 : i32
        %sub3A_97 = arith.constant 1 : i32
        %sub3A_98 = arith.subi %select_n3A, %sub3A_97 : i32
        %select_n3A_99 = arith.select %eq3A_96, %sub3A_98, %select_n3A_94 : i32
        %sub3A_100 = arith.constant 1 : i32
        %sub3A_101 = arith.subi %mul3A_16, %sub3A_100 : i32
        %mul3A_102 = arith.constant 1 : i32
        %mul3A_103 = arith.muli %mul3A_102, %select_n3A : i32
        %eq3A_104 = arith.constant 0 : i32
        %eq3A_105 = arith.cmpi eq, %sub3A_101, %eq3A_104 : i32
        %sub3A_106 = arith.constant 1 : i32
        %sub3A_107 = arith.subi %mul3A_103, %sub3A_106 : i32
        %eq3A_108 = arith.cmpi eq, %sub3A_101, %sub3A_107 : i32
        %add3A_109 = arith.addi %select_n3A_99, %select_n3A_14 : i32
        %sub3A_110 = arith.constant 1 : i32
        %sub3A_111 = arith.subi %select_n3A_99, %sub3A_110 : i32
        %select_n3A_112 = arith.constant true
        %select_n3A_113 = arith.select %select_n3A_112, %sub3A_111, %select_n3A_99 : i32
        %eq3A_114 = arith.constant -1 : i32
        %eq3A_115 = arith.cmpi eq, %select_n3A_113, %eq3A_114 : i32
        %sub3A_116 = arith.constant 1 : i32
        %sub3A_117 = arith.subi %select_n3A, %sub3A_116 : i32
        %select_n3A_118 = arith.select %eq3A_115, %sub3A_117, %select_n3A_113 : i32
        %add3A_119 = arith.addi %select_n3A_118, %select_n3A_14 : i32
        %add3A_120 = arith.constant 1 : i32
        %add3A_121 = arith.addi %select_n3A_99, %add3A_120 : i32
        %select_n3A_122 = arith.constant true
        %select_n3A_123 = arith.select %select_n3A_122, %add3A_121, %select_n3A_99 : i32
        %eq3A_124 = arith.cmpi eq, %select_n3A_123, %select_n3A : i32
        %select_n3A_125 = arith.constant 0 : i32
        %select_n3A_126 = arith.select %eq3A_124, %select_n3A_125, %select_n3A_123 : i32
        %add3A_127 = arith.addi %select_n3A_126, %select_n3A_14 : i32
        %add3A_128 = arith.constant 1 : i32
        %add3A_129 = arith.addi %select_n3A_126, %add3A_128 : i32
        %select_n3A_130 = arith.constant true
        %select_n3A_131 = arith.select %select_n3A_130, %add3A_129, %select_n3A_126 : i32
        %eq3A_132 = arith.cmpi eq, %select_n3A_131, %select_n3A : i32
        %select_n3A_133 = arith.constant 0 : i32
        %select_n3A_134 = arith.select %eq3A_132, %select_n3A_133, %select_n3A_131 : i32
        %add3A_135 = arith.addi %select_n3A_134, %select_n3A_14 : i32
        %convert_element_type3A_136 = arith.extui %eq3A_108 : i1 to i32
        %cond3A_137 = arith.constant 0 : i32
        %cond3A_138 = arith.cmpi ne, %convert_element_type3A_136, %cond3A_137 : i32
        scf.if %cond3A_138 {
        } else {
        }
        %convert_element_type3A_139 = arith.extui %eq3A_108 : i1 to i32
        %cond3A_140 = arith.constant 0 : i32
        %cond3A_141 = arith.cmpi ne, %convert_element_type3A_139, %cond3A_140 : i32
        scf.if %cond3A_141 {
          "tpu.trace_start"() <{level = 10 : i32, message = "ep_finalize"}> : () -> ()
          %rem3A_142 = arith.constant 2 : i32
          %rem3A_143 = arith.remui %while3A_90#3, %rem3A_142 : i32
          %mul3A_144 = arith.constant 128 : i32
          %mul3A_145 = arith.muli %mul3A_144, %add3A_109 : i32
          %dma_wait3A = arith.constant 0 : i32
          %dma_wait3A_146 = arith.constant 0 : i32
          %dma_wait3A_147 = tpu.memref_slice %run_scoped3A_18[%rem3A_143, %dma_wait3A, %dma_wait3A_146] : memref<2x128x256xf32, #tpu.memory_space<vmem>> -> memref<1x128x256xf32, #tpu.memory_space<vmem>>
          %dma_wait3A_148 = tpu.memref_squeeze %dma_wait3A_147 : memref<1x128x256xf32, #tpu.memory_space<vmem>> -> memref<128x256xf32, #tpu.memory_space<vmem>>
          %dma_wait3A_149 = arith.constant 0 : i32
          %dma_wait3A_150 = tpu.memref_slice %arg4[%mul3A_145, %dma_wait3A_149] : memref<1024x256xf32, #tpu.memory_space<hbm>> -> memref<128x256xf32, #tpu.memory_space<hbm>>
          %dma_wait3A_151 = tpu.memref_slice %run_scoped3A_19[%rem3A_143] : memref<2x!tpu.dma_semaphore, #tpu.memory_space<semaphore_mem>> -> memref<1x!tpu.dma_semaphore, #tpu.memory_space<semaphore_mem>>
          %dma_wait3A_152 = tpu.memref_squeeze %dma_wait3A_151 : memref<1x!tpu.dma_semaphore, #tpu.memory_space<semaphore_mem>> -> memref<!tpu.dma_semaphore, #tpu.memory_space<semaphore_mem>>
          %dma_wait3A_153 = arith.constant 0 : i32
          %dma_wait3A_154 = tpu.memref_slice %arg4[%mul3A_145, %dma_wait3A_153] : memref<1024x256xf32, #tpu.memory_space<hbm>> -> memref<128x256xf32, #tpu.memory_space<hbm>>
          %dma_wait3A_155 = arith.constant 0 : i32
          %dma_wait3A_156 = arith.constant 0 : i32
          %dma_wait3A_157 = tpu.memref_slice %run_scoped3A_18[%rem3A_143, %dma_wait3A_155, %dma_wait3A_156] : memref<2x128x256xf32, #tpu.memory_space<vmem>> -> memref<1x128x256xf32, #tpu.memory_space<vmem>>
          %dma_wait3A_158 = tpu.memref_squeeze %dma_wait3A_157 : memref<1x128x256xf32, #tpu.memory_space<vmem>> -> memref<128x256xf32, #tpu.memory_space<vmem>>
          tpu.wait_dma2 semaphore(%dma_wait3A_152 : memref<!tpu.dma_semaphore, #tpu.memory_space<semaphore_mem>>) src(%dma_wait3A_158 : memref<128x256xf32, #tpu.memory_space<vmem>>) dst(%dma_wait3A_154 : memref<128x256xf32, #tpu.memory_space<hbm>>)
          "tpu.trace_stop"() : () -> ()
        } else {
        }
      } else {
      }
      tpu.yield
    }) : () -> ()
    return
  }
}

module attributes {stable_mosaic.version = 14 : i64} {
  func.func @_encq_body(%arg0: i32, %arg1: memref<128x4x2048xf32, #tpu.memory_space<vmem>>, %arg2: memref<8192x256xf32, #tpu.memory_space<vmem>>, %arg3: memref<1x256xf32, #tpu.memory_space<vmem>>, %arg4: memref<8192x256xf32, #tpu.memory_space<vmem>>, %arg5: memref<1x8192xf32, #tpu.memory_space<vmem>>, %arg6: memref<128x256xf32, #tpu.memory_space<vmem>>, %arg7: memref<128x8192xf32, #tpu.memory_space<vmem>>, %arg8: memref<128x1xi32, #tpu.memory_space<vmem>>, %arg9: memref<1x1x128xi32, #tpu.memory_space<vmem>>) attributes {dimension_semantics = [#tpu.dimension_semantics<parallel>], iteration_bounds = array<i64: 8>, scalar_prefetch = 0 : i64, scratch_operands = 0 : i64, tpu.core_type = #tpu.core_type<tc>, window_params = [{transform_indices = @transform_0, window_bounds = array<i64: 128, 4, 2048>}, {pipeline_mode = #tpu.pipeline_mode<synchronous>, transform_indices = @transform_1, window_bounds = array<i64: 8192, 256>}, {pipeline_mode = #tpu.pipeline_mode<synchronous>, transform_indices = @transform_2, window_bounds = array<i64: 1, 256>}, {pipeline_mode = #tpu.pipeline_mode<synchronous>, transform_indices = @transform_3, window_bounds = array<i64: 8192, 256>}, {pipeline_mode = #tpu.pipeline_mode<synchronous>, transform_indices = @transform_4, window_bounds = array<i64: 1, 8192>}, {transform_indices = @transform_5, window_bounds = array<i64: 128, 256>}, {transform_indices = @transform_6, window_bounds = array<i64: 128, 8192>}, {transform_indices = @transform_7, window_bounds = array<i64: 128, 1>}, {transform_indices = @transform_8, window_bounds = array<i64: 1, 1, 128>}]} {
    %get3A = arith.constant 0 : index
    %get3A_0 = arith.constant 0 : index
    %get3A_1 = arith.constant 0 : index
    %get3A_2 = vector.load %arg1[%get3A, %get3A_0, %get3A_1] : memref<128x4x2048xf32, #tpu.memory_space<vmem>>, vector<128x4x2048xf32>
    %reshape3A = vector.shape_cast %get3A_2 : vector<128x4x2048xf32> to vector<128x8192xf32>
    %convert_element_type3A = arith.truncf %reshape3A : vector<128x8192xf32> to vector<128x8192xbf16>
    %get3A_3 = arith.constant 0 : index
    %get3A_4 = arith.constant 0 : index
    %get3A_5 = vector.load %arg2[%get3A_3, %get3A_4] : memref<8192x256xf32, #tpu.memory_space<vmem>>, vector<8192x256xf32>
    %convert_element_type3A_6 = arith.truncf %get3A_5 : vector<8192x256xf32> to vector<8192x256xbf16>
    %dot_general3A = arith.constant dense<0.000000e+00> : vector<128x256xf32>
    %dot_general3A_7 = tpu.matmul %convert_element_type3A, %convert_element_type3A_6, %dot_general3A {dimension_numbers = #tpu.dot_dimension_numbers<[1], [0], [0], [1], [0, 0, 1, 1], [], []>, transpose_lhs_hint = false} : vector<128x8192xbf16>, vector<8192x256xbf16>, vector<128x256xf32> -> vector<128x256xf32>
    %get3A_8 = arith.constant 0 : index
    %get3A_9 = arith.constant 0 : index
    %get3A_10 = vector.load %arg3[%get3A_8, %get3A_9] : memref<1x256xf32, #tpu.memory_space<vmem>>, vector<1x256xf32>
    %add3A = vector.broadcast %get3A_10 : vector<1x256xf32> to vector<128x256xf32>
    %add3A_11 = arith.addf %dot_general3A_7, %add3A : vector<128x256xf32>
    %max3A = arith.constant 0.000000e+00 : f32
    %max3A_12 = vector.broadcast %max3A : f32 to vector<128x256xf32>
    %max3A_13 = arith.maximumf %add3A_11, %max3A_12 : vector<128x256xf32>
    %swap3A = arith.constant 0 : index
    %swap3A_14 = arith.constant 0 : index
    %swap3A_15 = vector.load %arg6[%swap3A, %swap3A_14] : memref<128x256xf32, #tpu.memory_space<vmem>>, vector<128x256xf32>
    tpu.vector_store %arg6[%swap3A, %swap3A_14], %max3A_13 {strides = array<i32>} : memref<128x256xf32, #tpu.memory_space<vmem>>, vector<128x256xf32>,
    %convert_element_type3A_16 = arith.truncf %max3A_13 : vector<128x256xf32> to vector<128x256xbf16>
    %get3A_17 = arith.constant 0 : index
    %get3A_18 = arith.constant 0 : index
    %get3A_19 = vector.load %arg4[%get3A_17, %get3A_18] : memref<8192x256xf32, #tpu.memory_space<vmem>>, vector<8192x256xf32>
    %convert_element_type3A_20 = arith.truncf %get3A_19 : vector<8192x256xf32> to vector<8192x256xbf16>
    %dot_general3A_21 = arith.constant dense<0.000000e+00> : vector<128x8192xf32>
    %dot_general3A_22 = tpu.matmul %convert_element_type3A_16, %convert_element_type3A_20, %dot_general3A_21 {dimension_numbers = #tpu.dot_dimension_numbers<[1], [1], [0], [0], [0, 0, 1, 0], [], []>, transpose_lhs_hint = false} : vector<128x256xbf16>, vector<8192x256xbf16>, vector<128x8192xf32> -> vector<128x8192xf32>
    %mul3A = arith.mulf %max3A_13, %max3A_13 : vector<128x256xf32>
    %reduce_sum3A = arith.constant dense<0.000000e+00> : vector<128xf32>
    %reduce_sum3A_23 = vector.multi_reduction <add>, %mul3A, %reduce_sum3A [1] : vector<128x256xf32> to vector<128xf32>
    %broadcast_in_dim3A = vector.shape_cast %reduce_sum3A_23 : vector<128xf32> to vector<128x1xf32>
    %mul3A_24 = arith.constant 2.000000e+00 : f32
    %mul3A_25 = vector.broadcast %mul3A_24 : f32 to vector<128x8192xf32>
    %mul3A_26 = arith.mulf %mul3A_25, %dot_general3A_22 : vector<128x8192xf32>
    %sub3A = vector.broadcast %broadcast_in_dim3A : vector<128x1xf32> to vector<128x8192xf32>
    %sub3A_27 = arith.subf %sub3A, %mul3A_26 : vector<128x8192xf32>
    %get3A_28 = arith.constant 0 : index
    %get3A_29 = arith.constant 0 : index
    %get3A_30 = vector.load %arg5[%get3A_28, %get3A_29] : memref<1x8192xf32, #tpu.memory_space<vmem>>, vector<1x8192xf32>
    %add3A_31 = vector.broadcast %get3A_30 : vector<1x8192xf32> to vector<128x8192xf32>
    %add3A_32 = arith.addf %sub3A_27, %add3A_31 : vector<128x8192xf32>
    %swap3A_33 = arith.constant 0 : index
    %swap3A_34 = arith.constant 0 : index
    %swap3A_35 = vector.load %arg7[%swap3A_33, %swap3A_34] : memref<128x8192xf32, #tpu.memory_space<vmem>>, vector<128x8192xf32>
    tpu.vector_store %arg7[%swap3A_33, %swap3A_34], %add3A_32 {strides = array<i32>} : memref<128x8192xf32, #tpu.memory_space<vmem>>, vector<128x8192xf32>,
    %reduce_min3A = arith.constant dense<0x7F800000> : vector<128xf32>
    %reduce_min3A_36 = vector.multi_reduction <minimumf>, %add3A_32, %reduce_min3A [1] : vector<128x8192xf32> to vector<128xf32>
    %broadcast_in_dim3A_37 = vector.shape_cast %reduce_min3A_36 : vector<128xf32> to vector<128x1xf32>
    %iota3A = tpu.iota {dimensions = array<i32: 1>} : vector<128x8192xi32>
    %eq3A = vector.broadcast %broadcast_in_dim3A_37 : vector<128x1xf32> to vector<128x8192xf32>
    %eq3A_38 = arith.cmpf oeq, %add3A_32, %eq3A : vector<128x8192xf32>
    %jit3A = arith.constant 8192 : i32
    %broadcast_in_dim3A_39 = vector.broadcast %jit3A : i32 to vector<128x8192xi32>
    %select_n3A = arith.select %eq3A_38, %iota3A, %broadcast_in_dim3A_39 : vector<128x8192xi1>, vector<128x8192xi32>
    %reduce_min3A_40 = arith.constant dense<2147483647> : vector<128xi32>
    %reduce_min3A_41 = vector.multi_reduction <minsi>, %select_n3A, %reduce_min3A_40 [1] : vector<128x8192xi32> to vector<128xi32>
    %broadcast_in_dim3A_42 = vector.shape_cast %reduce_min3A_41 : vector<128xi32> to vector<128x1xi32>
    %swap3A_43 = arith.constant 0 : index
    %swap3A_44 = arith.constant 0 : index
    %swap3A_45 = vector.load %arg8[%swap3A_43, %swap3A_44] : memref<128x1xi32, #tpu.memory_space<vmem>>, vector<128x1xi32>
    tpu.vector_store %arg8[%swap3A_43, %swap3A_44], %broadcast_in_dim3A_42 {strides = array<i32>} : memref<128x1xi32, #tpu.memory_space<vmem>>, vector<128x1xi32>,
    %transpose3A = tpu.transpose %broadcast_in_dim3A_42, [1, 0] : vector<128x1xi32> -> vector<1x128xi32>
    %broadcast_in_dim3A_46 = vector.shape_cast %transpose3A : vector<1x128xi32> to vector<1x1x128xi32>
    %swap3A_47 = arith.constant 0 : index
    %swap3A_48 = arith.constant 0 : index
    %swap3A_49 = arith.constant 0 : index
    %swap3A_50 = vector.load %arg9[%swap3A_47, %swap3A_48, %swap3A_49] : memref<1x1x128xi32, #tpu.memory_space<vmem>>, vector<1x1x128xi32>
    tpu.vector_store %arg9[%swap3A_47, %swap3A_48, %swap3A_49], %broadcast_in_dim3A_46 {strides = array<i32>} : memref<1x1x128xi32, #tpu.memory_space<vmem>>, vector<1x1x128xi32>,
    return
  }
  func.func @transform_0(%arg0: i32) -> (i32, i32, i32) {
    %c0_i32 = arith.constant 0 : i32
    %c0_i32_0 = arith.constant 0 : i32
    %c0_i32_1 = arith.constant 0 : i32
    return %arg0, %c0_i32, %c0_i32_0 : i32, i32, i32
  }
  func.func @transform_1(%arg0: i32) -> (i32, i32) {
    %c0_i32 = arith.constant 0 : i32
    %c0_i32_0 = arith.constant 0 : i32
    %c0_i32_1 = arith.constant 0 : i32
    return %c0_i32, %c0_i32_0 : i32, i32
  }
  func.func @transform_2(%arg0: i32) -> (i32, i32) {
    %c0_i32 = arith.constant 0 : i32
    %c0_i32_0 = arith.constant 0 : i32
    %c0_i32_1 = arith.constant 0 : i32
    return %c0_i32, %c0_i32_0 : i32, i32
  }
  func.func @transform_3(%arg0: i32) -> (i32, i32) {
    %c0_i32 = arith.constant 0 : i32
    %c0_i32_0 = arith.constant 0 : i32
    %c0_i32_1 = arith.constant 0 : i32
    return %c0_i32, %c0_i32_0 : i32, i32
  }
  func.func @transform_4(%arg0: i32) -> (i32, i32) {
    %c0_i32 = arith.constant 0 : i32
    %c0_i32_0 = arith.constant 0 : i32
    %c0_i32_1 = arith.constant 0 : i32
    return %c0_i32, %c0_i32_0 : i32, i32
  }
  func.func @transform_5(%arg0: i32) -> (i32, i32) {
    %c0_i32 = arith.constant 0 : i32
    %c0_i32_0 = arith.constant 0 : i32
    return %arg0, %c0_i32 : i32, i32
  }
  func.func @transform_6(%arg0: i32) -> (i32, i32) {
    %c0_i32 = arith.constant 0 : i32
    %c0_i32_0 = arith.constant 0 : i32
    return %arg0, %c0_i32 : i32, i32
  }
  func.func @transform_7(%arg0: i32) -> (i32, i32) {
    %c0_i32 = arith.constant 0 : i32
    %c0_i32_0 = arith.constant 0 : i32
    return %arg0, %c0_i32 : i32, i32
  }
  func.func @transform_8(%arg0: i32) -> (i32, i32, i32) {
    %c0_i32 = arith.constant 0 : i32
    %c0_i32_0 = arith.constant 0 : i32
    %c0_i32_1 = arith.constant 0 : i32
    return %arg0, %c0_i32, %c0_i32_0 : i32, i32, i32
  }
}

module attributes {stable_mosaic.version = 14 : i64} {
  func.func @_esq_body(%arg0: i32, %arg1: memref<8192x256xf32, #tpu.memory_space<vmem>>, %arg2: memref<1x8192xf32, #tpu.memory_space<vmem>>) attributes {dimension_semantics = [#tpu.dimension_semantics<arbitrary>], iteration_bounds = array<i64: 1>, scalar_prefetch = 0 : i64, scratch_operands = 0 : i64, tpu.core_type = #tpu.core_type<tc>, window_params = [{pipeline_mode = #tpu.pipeline_mode<synchronous>, transform_indices = @transform_0, window_bounds = array<i64: 8192, 256>}, {pipeline_mode = #tpu.pipeline_mode<synchronous>, transform_indices = @transform_1, window_bounds = array<i64: 1, 8192>}]} {
    %get3A = arith.constant 0 : index
    %get3A_0 = arith.constant 0 : index
    %get3A_1 = vector.load %arg1[%get3A, %get3A_0] : memref<8192x256xf32, #tpu.memory_space<vmem>>, vector<8192x256xf32>
    %mul3A = arith.mulf %get3A_1, %get3A_1 : vector<8192x256xf32>
    %reduce_sum3A = arith.constant dense<0.000000e+00> : vector<8192xf32>
    %reduce_sum3A_2 = vector.multi_reduction <add>, %mul3A, %reduce_sum3A [1] : vector<8192x256xf32> to vector<8192xf32>
    %broadcast_in_dim3A = vector.shape_cast %reduce_sum3A_2 : vector<8192xf32> to vector<8192x1xf32>
    %transpose3A = tpu.transpose %broadcast_in_dim3A, [1, 0] : vector<8192x1xf32> -> vector<1x8192xf32>
    %swap3A = arith.constant 0 : index
    %swap3A_3 = arith.constant 0 : index
    %swap3A_4 = vector.load %arg2[%swap3A, %swap3A_3] : memref<1x8192xf32, #tpu.memory_space<vmem>>, vector<1x8192xf32>
    tpu.vector_store %arg2[%swap3A, %swap3A_3], %transpose3A {strides = array<i32>} : memref<1x8192xf32, #tpu.memory_space<vmem>>, vector<1x8192xf32>,
    return
  }
  func.func @transform_0(%arg0: i32) -> (i32, i32) {
    %c0_i32 = arith.constant 0 : i32
    %c0_i32_0 = arith.constant 0 : i32
    %c0_i32_1 = arith.constant 0 : i32
    return %c0_i32, %c0_i32_0 : i32, i32
  }
  func.func @transform_1(%arg0: i32) -> (i32, i32) {
    %c0_i32 = arith.constant 0 : i32
    %c0_i32_0 = arith.constant 0 : i32
    %c0_i32_1 = arith.constant 0 : i32
    return %c0_i32, %c0_i32_0 : i32, i32
  }
}

module attributes {stable_mosaic.version = 14 : i64} {
  func.func @_dec_body(%arg0: i32, %arg1: memref<1x1xf32, #tpu.memory_space<vmem>>, %arg2: memref<128x256xf32, #tpu.memory_space<vmem>>, %arg3: memref<128x1xi32, #tpu.memory_space<vmem>>, %arg4: memref<256x8192xf32, #tpu.memory_space<vmem>>, %arg5: memref<1x8192xf32, #tpu.memory_space<vmem>>, %arg6: memref<256x8192xf32, #tpu.memory_space<vmem>>, %arg7: memref<1x8192xf32, #tpu.memory_space<vmem>>, %arg8: memref<128x4x2048xf32, #tpu.memory_space<vmem>>, %arg9: memref<128x4x2048xf32, #tpu.memory_space<vmem>>, %arg10: memref<128x8192xf32, #tpu.memory_space<vmem>>, %arg11: memref<128x5xi32, #tpu.memory_space<vmem>>) attributes {dimension_semantics = [#tpu.dimension_semantics<parallel>], iteration_bounds = array<i64: 8>, scalar_prefetch = 0 : i64, scratch_operands = 0 : i64, tpu.core_type = #tpu.core_type<tc>, window_params = [{pipeline_mode = #tpu.pipeline_mode<synchronous>, transform_indices = @transform_0, window_bounds = array<i64: 1, 1>}, {transform_indices = @transform_1, window_bounds = array<i64: 128, 256>}, {transform_indices = @transform_2, window_bounds = array<i64: 128, 1>}, {pipeline_mode = #tpu.pipeline_mode<synchronous>, transform_indices = @transform_3, window_bounds = array<i64: 256, 8192>}, {pipeline_mode = #tpu.pipeline_mode<synchronous>, transform_indices = @transform_4, window_bounds = array<i64: 1, 8192>}, {pipeline_mode = #tpu.pipeline_mode<synchronous>, transform_indices = @transform_5, window_bounds = array<i64: 256, 8192>}, {pipeline_mode = #tpu.pipeline_mode<synchronous>, transform_indices = @transform_6, window_bounds = array<i64: 1, 8192>}, {transform_indices = @transform_7, window_bounds = array<i64: 128, 4, 2048>}, {transform_indices = @transform_8, window_bounds = array<i64: 128, 4, 2048>}, {transform_indices = @transform_9, window_bounds = array<i64: 128, 8192>}, {transform_indices = @transform_10, window_bounds = array<i64: 128, 5>}]} {
    %get3A = arith.constant 0 : index
    %get3A_0 = arith.constant 0 : index
    %get3A_1 = vector.load %arg2[%get3A, %get3A_0] : memref<128x256xf32, #tpu.memory_space<vmem>>, vector<128x256xf32>
    %get3A_2 = arith.constant 0 : index
    %get3A_3 = arith.constant 0 : index
    %get3A_4 = vector.load %arg3[%get3A_2, %get3A_3] : memref<128x1xi32, #tpu.memory_space<vmem>>, vector<128x1xi32>
    %convert_element_type3A = arith.truncf %get3A_1 : vector<128x256xf32> to vector<128x256xbf16>
    %get3A_5 = arith.constant 0 : index
    %get3A_6 = arith.constant 0 : index
    %get3A_7 = vector.load %arg4[%get3A_5, %get3A_6] : memref<256x8192xf32, #tpu.memory_space<vmem>>, vector<256x8192xf32>
    %convert_element_type3A_8 = arith.truncf %get3A_7 : vector<256x8192xf32> to vector<256x8192xbf16>
    %dot_general3A = arith.constant dense<0.000000e+00> : vector<128x8192xf32>
    %dot_general3A_9 = tpu.matmul %convert_element_type3A, %convert_element_type3A_8, %dot_general3A {dimension_numbers = #tpu.dot_dimension_numbers<[1], [0], [0], [1], [0, 0, 1, 1], [], []>, transpose_lhs_hint = false} : vector<128x256xbf16>, vector<256x8192xbf16>, vector<128x8192xf32> -> vector<128x8192xf32>
    %get3A_10 = arith.constant 0 : index
    %get3A_11 = arith.constant 0 : index
    %get3A_12 = vector.load %arg5[%get3A_10, %get3A_11] : memref<1x8192xf32, #tpu.memory_space<vmem>>, vector<1x8192xf32>
    %add3A = vector.broadcast %get3A_12 : vector<1x8192xf32> to vector<128x8192xf32>
    %add3A_13 = arith.addf %dot_general3A_9, %add3A : vector<128x8192xf32>
    %reshape3A = vector.shape_cast %add3A_13 : vector<128x8192xf32> to vector<128x4x2048xf32>
    %swap3A = arith.constant 0 : index
    %swap3A_14 = arith.constant 0 : index
    %swap3A_15 = arith.constant 0 : index
    %swap3A_16 = vector.load %arg8[%swap3A, %swap3A_14, %swap3A_15] : memref<128x4x2048xf32, #tpu.memory_space<vmem>>, vector<128x4x2048xf32>
    tpu.vector_store %arg8[%swap3A, %swap3A_14, %swap3A_15], %reshape3A {strides = array<i32>} : memref<128x4x2048xf32, #tpu.memory_space<vmem>>, vector<128x4x2048xf32>,
    %get3A_17 = arith.constant 0 : index
    %get3A_18 = arith.constant 0 : index
    %get3A_19 = vector.load %arg6[%get3A_17, %get3A_18] : memref<256x8192xf32, #tpu.memory_space<vmem>>, vector<256x8192xf32>
    %convert_element_type3A_20 = arith.truncf %get3A_19 : vector<256x8192xf32> to vector<256x8192xbf16>
    %dot_general3A_21 = arith.constant dense<0.000000e+00> : vector<128x8192xf32>
    %dot_general3A_22 = tpu.matmul %convert_element_type3A, %convert_element_type3A_20, %dot_general3A_21 {dimension_numbers = #tpu.dot_dimension_numbers<[1], [0], [0], [1], [0, 0, 1, 1], [], []>, transpose_lhs_hint = false} : vector<128x256xbf16>, vector<256x8192xbf16>, vector<128x8192xf32> -> vector<128x8192xf32>
    %get3A_23 = arith.constant 0 : index
    %get3A_24 = arith.constant 0 : index
    %get3A_25 = vector.load %arg7[%get3A_23, %get3A_24] : memref<1x8192xf32, #tpu.memory_space<vmem>>, vector<1x8192xf32>
    %add3A_26 = vector.broadcast %get3A_25 : vector<1x8192xf32> to vector<128x8192xf32>
    %add3A_27 = arith.addf %dot_general3A_22, %add3A_26 : vector<128x8192xf32>
    %reshape3A_28 = vector.shape_cast %add3A_27 : vector<128x8192xf32> to vector<128x4x2048xf32>
    %swap3A_29 = arith.constant 0 : index
    %swap3A_30 = arith.constant 0 : index
    %swap3A_31 = arith.constant 0 : index
    %swap3A_32 = vector.load %arg9[%swap3A_29, %swap3A_30, %swap3A_31] : memref<128x4x2048xf32, #tpu.memory_space<vmem>>, vector<128x4x2048xf32>
    tpu.vector_store %arg9[%swap3A_29, %swap3A_30, %swap3A_31], %reshape3A_28 {strides = array<i32>} : memref<128x4x2048xf32, #tpu.memory_space<vmem>>, vector<128x4x2048xf32>,
    %jit3A = arith.constant 128 : i32
    %div3A = vector.broadcast %jit3A : i32 to vector<128x1xi32>
    %div3A_33 = arith.divsi %get3A_4, %div3A : vector<128x1xi32>
    %sign3A = arith.constant 0 : i32
    %sign3A_34 = vector.broadcast %sign3A : i32 to vector<128x1xi32>
    %sign3A_35 = arith.cmpi sgt, %get3A_4, %sign3A_34 : vector<128x1xi32>
    %sign3A_36 = arith.extui %sign3A_35 : vector<128x1xi1> to vector<128x1xi32>
    %sign3A_37 = arith.constant 0 : i32
    %sign3A_38 = vector.broadcast %sign3A_37 : i32 to vector<128x1xi32>
    %sign3A_39 = arith.cmpi slt, %get3A_4, %sign3A_38 : vector<128x1xi32>
    %sign3A_40 = arith.extui %sign3A_39 : vector<128x1xi1> to vector<128x1xi32>
    %sign3A_41 = arith.subi %sign3A_36, %sign3A_40 : vector<128x1xi32>
    %sign3A_42 = arith.constant 0 : i32
    %sign3A_43 = arith.cmpi sgt, %jit3A, %sign3A_42 : i32
    %sign3A_44 = arith.extui %sign3A_43 : i1 to i32
    %sign3A_45 = arith.constant 0 : i32
    %sign3A_46 = arith.cmpi slt, %jit3A, %sign3A_45 : i32
    %sign3A_47 = arith.extui %sign3A_46 : i1 to i32
    %sign3A_48 = arith.subi %sign3A_44, %sign3A_47 : i32
    %ne3A = vector.broadcast %sign3A_48 : i32 to vector<128x1xi32>
    %ne3A_49 = arith.cmpi ne, %sign3A_41, %ne3A : vector<128x1xi32>
    %rem3A = vector.broadcast %jit3A : i32 to vector<128x1xi32>
    %rem3A_50 = arith.remsi %get3A_4, %rem3A : vector<128x1xi32>
    %ne3A_51 = arith.constant 0 : i32
    %ne3A_52 = vector.broadcast %ne3A_51 : i32 to vector<128x1xi32>
    %ne3A_53 = arith.cmpi ne, %rem3A_50, %ne3A_52 : vector<128x1xi32>
    %and3A = arith.andi %ne3A_49, %ne3A_53 : vector<128x1xi1>
    %sub3A = arith.constant 1 : i32
    %sub3A_54 = vector.broadcast %sub3A : i32 to vector<128x1xi32>
    %sub3A_55 = arith.subi %div3A_33, %sub3A_54 : vector<128x1xi32>
    %select_n3A = arith.select %and3A, %sub3A_55, %div3A_33 : vector<128x1xi1>, vector<128x1xi32>
    %jit3A_56 = arith.constant 128 : i32
    %eq3A = arith.constant 0 : i32
    %eq3A_57 = arith.cmpi eq, %jit3A_56, %eq3A : i32
    %jit3A_58 = arith.constant 1 : i32
    %select_n3A_59 = arith.select %eq3A_57, %jit3A_58, %jit3A_56 : i32
    %rem3A_60 = vector.broadcast %select_n3A_59 : i32 to vector<128x1xi32>
    %rem3A_61 = arith.remsi %get3A_4, %rem3A_60 : vector<128x1xi32>
    %ne3A_62 = arith.constant 0 : i32
    %ne3A_63 = vector.broadcast %ne3A_62 : i32 to vector<128x1xi32>
    %ne3A_64 = arith.cmpi ne, %rem3A_61, %ne3A_63 : vector<128x1xi32>
    %lt3A = arith.constant 0 : i32
    %lt3A_65 = vector.broadcast %lt3A : i32 to vector<128x1xi32>
    %lt3A_66 = arith.cmpi slt, %rem3A_61, %lt3A_65 : vector<128x1xi32>
    %lt3A_67 = arith.constant 0 : i32
    %lt3A_68 = arith.cmpi slt, %select_n3A_59, %lt3A_67 : i32
    %ne3A_69 = vector.broadcast %lt3A_68 : i1 to vector<128x1xi1>
    %ne3A_70 = vector.broadcast %ne3A_69 : vector<128x1xi1> to vector<128x1xi1>
    %ne3A_71 = arith.xori %lt3A_66, %ne3A_70 : vector<128x1xi1>
    %and3A_72 = arith.andi %ne3A_71, %ne3A_64 : vector<128x1xi1>
    %add3A_73 = vector.broadcast %select_n3A_59 : i32 to vector<128x1xi32>
    %add3A_74 = arith.addi %rem3A_61, %add3A_73 : vector<128x1xi32>
    %select_n3A_75 = arith.select %and3A_72, %add3A_74, %rem3A_61 : vector<128x1xi1>, vector<128x1xi32>
    %sub3A_76 = arith.constant 1 : i32
    %sub3A_77 = vector.broadcast %sub3A_76 : i32 to vector<128x1xi32>
    %sub3A_78 = arith.subi %select_n3A, %sub3A_77 : vector<128x1xi32>
    %jit3A_79 = arith.constant 0 : i32
    %jit3A_80 = arith.constant 63 : i32
    %max3A = vector.broadcast %jit3A_79 : i32 to vector<128x1xi32>
    %max3A_81 = arith.maxsi %max3A, %sub3A_78 : vector<128x1xi32>
    %min3A = vector.broadcast %jit3A_80 : i32 to vector<128x1xi32>
    %min3A_82 = arith.minsi %min3A, %max3A_81 : vector<128x1xi32>
    %mul3A = arith.constant 128 : i32
    %mul3A_83 = vector.broadcast %mul3A : i32 to vector<128x1xi32>
    %mul3A_84 = arith.muli %min3A_82, %mul3A_83 : vector<128x1xi32>
    %add3A_85 = arith.addi %mul3A_84, %select_n3A_75 : vector<128x1xi32>
    %add3A_86 = arith.constant 1 : i32
    %add3A_87 = vector.broadcast %add3A_86 : i32 to vector<128x1xi32>
    %add3A_88 = arith.addi %select_n3A, %add3A_87 : vector<128x1xi32>
    %jit3A_89 = arith.constant 0 : i32
    %jit3A_90 = arith.constant 63 : i32
    %max3A_91 = vector.broadcast %jit3A_89 : i32 to vector<128x1xi32>
    %max3A_92 = arith.maxsi %max3A_91, %add3A_88 : vector<128x1xi32>
    %min3A_93 = vector.broadcast %jit3A_90 : i32 to vector<128x1xi32>
    %min3A_94 = arith.minsi %min3A_93, %max3A_92 : vector<128x1xi32>
    %mul3A_95 = arith.constant 128 : i32
    %mul3A_96 = vector.broadcast %mul3A_95 : i32 to vector<128x1xi32>
    %mul3A_97 = arith.muli %min3A_94, %mul3A_96 : vector<128x1xi32>
    %add3A_98 = arith.addi %mul3A_97, %select_n3A_75 : vector<128x1xi32>
    %mul3A_99 = arith.constant 128 : i32
    %mul3A_100 = vector.broadcast %mul3A_99 : i32 to vector<128x1xi32>
    %mul3A_101 = arith.muli %select_n3A, %mul3A_100 : vector<128x1xi32>
    %sub3A_102 = arith.constant 1 : i32
    %sub3A_103 = vector.broadcast %sub3A_102 : i32 to vector<128x1xi32>
    %sub3A_104 = arith.subi %select_n3A_75, %sub3A_103 : vector<128x1xi32>
    %jit3A_105 = arith.constant 0 : i32
    %jit3A_106 = arith.constant 127 : i32
    %max3A_107 = vector.broadcast %jit3A_105 : i32 to vector<128x1xi32>
    %max3A_108 = arith.maxsi %max3A_107, %sub3A_104 : vector<128x1xi32>
    %min3A_109 = vector.broadcast %jit3A_106 : i32 to vector<128x1xi32>
    %min3A_110 = arith.minsi %min3A_109, %max3A_108 : vector<128x1xi32>
    %add3A_111 = arith.addi %mul3A_101, %min3A_110 : vector<128x1xi32>
    %mul3A_112 = arith.constant 128 : i32
    %mul3A_113 = vector.broadcast %mul3A_112 : i32 to vector<128x1xi32>
    %mul3A_114 = arith.muli %select_n3A, %mul3A_113 : vector<128x1xi32>
    %add3A_115 = arith.constant 1 : i32
    %add3A_116 = vector.broadcast %add3A_115 : i32 to vector<128x1xi32>
    %add3A_117 = arith.addi %select_n3A_75, %add3A_116 : vector<128x1xi32>
    %jit3A_118 = arith.constant 0 : i32
    %jit3A_119 = arith.constant 127 : i32
    %max3A_120 = vector.broadcast %jit3A_118 : i32 to vector<128x1xi32>
    %max3A_121 = arith.maxsi %max3A_120, %add3A_117 : vector<128x1xi32>
    %min3A_122 = vector.broadcast %jit3A_119 : i32 to vector<128x1xi32>
    %min3A_123 = arith.minsi %min3A_122, %max3A_121 : vector<128x1xi32>
    %add3A_124 = arith.addi %mul3A_114, %min3A_123 : vector<128x1xi32>
    %concatenate3A = tpu.concatenate %get3A_4, %add3A_85, %add3A_98, %add3A_111, %add3A_124 in 1 : vector<128x1xi32>, vector<128x1xi32>, vector<128x1xi32>, vector<128x1xi32>, vector<128x1xi32> -> vector<128x5xi32>
    %swap3A_125 = arith.constant 0 : index
    %swap3A_126 = arith.constant 0 : index
    %swap3A_127 = vector.load %arg11[%swap3A_125, %swap3A_126] : memref<128x5xi32, #tpu.memory_space<vmem>>, vector<128x5xi32>
    tpu.vector_store %arg11[%swap3A_125, %swap3A_126], %concatenate3A {strides = array<i32>} : memref<128x5xi32, #tpu.memory_space<vmem>>, vector<128x5xi32>,
    %get3A_128 = arith.constant 0 : index
    %get3A_129 = arith.constant 0 : index
    %get3A_130 = vector.load %arg1[%get3A_128, %get3A_129] : memref<1x1xf32, #tpu.memory_space<vmem>>, vector<1x1xf32>
    %convert_element_type3A_131 = arith.sitofp %select_n3A : vector<128x1xi32> to vector<128x1xf32>
    %convert_element_type3A_132 = arith.sitofp %select_n3A_75 : vector<128x1xi32> to vector<128x1xf32>
    %iota3A = tpu.iota {dimensions = array<i32: 1>} : vector<128x64xi32>
    %convert_element_type3A_133 = arith.sitofp %iota3A : vector<128x64xi32> to vector<128x64xf32>
    %iota3A_134 = tpu.iota {dimensions = array<i32: 1>} : vector<128x128xi32>
    %convert_element_type3A_135 = arith.sitofp %iota3A_134 : vector<128x128xi32> to vector<128x128xf32>
    %sub3A_136 = vector.broadcast %convert_element_type3A_131 : vector<128x1xf32> to vector<128x64xf32>
    %sub3A_137 = arith.subf %convert_element_type3A_133, %sub3A_136 : vector<128x64xf32>
    %integer_pow3A = arith.mulf %sub3A_137, %sub3A_137 : vector<128x64xf32>
    %neg3A = arith.constant 0.000000e+00 : f32
    %neg3A_138 = vector.broadcast %neg3A : f32 to vector<128x64xf32>
    %neg3A_139 = arith.subf %neg3A_138, %integer_pow3A : vector<128x64xf32>
    %mul3A_140 = vector.broadcast %get3A_130 : vector<1x1xf32> to vector<128x64xf32>
    %mul3A_141 = arith.mulf %neg3A_139, %mul3A_140 : vector<128x64xf32>
    %exp3A = math.exp %mul3A_141 : vector<128x64xf32>
    %sub3A_142 = vector.broadcast %convert_element_type3A_132 : vector<128x1xf32> to vector<128x128xf32>
    %sub3A_143 = arith.subf %convert_element_type3A_135, %sub3A_142 : vector<128x128xf32>
    %integer_pow3A_144 = arith.mulf %sub3A_143, %sub3A_143 : vector<128x128xf32>
    %neg3A_145 = arith.constant 0.000000e+00 : f32
    %neg3A_146 = vector.broadcast %neg3A_145 : f32 to vector<128x128xf32>
    %neg3A_147 = arith.subf %neg3A_146, %integer_pow3A_144 : vector<128x128xf32>
    %mul3A_148 = vector.broadcast %get3A_130 : vector<1x1xf32> to vector<128x128xf32>
    %mul3A_149 = arith.mulf %neg3A_147, %mul3A_148 : vector<128x128xf32>
    %exp3A_150 = math.exp %mul3A_149 : vector<128x128xf32>
    %broadcast_in_dim3A = vector.shape_cast %exp3A : vector<128x64xf32> to vector<128x64x1xf32>
    %broadcast_in_dim3A_151 = vector.shape_cast %exp3A_150 : vector<128x128xf32> to vector<128x1x128xf32>
    %mul3A_152 = vector.broadcast %broadcast_in_dim3A : vector<128x64x1xf32> to vector<128x64x128xf32>
    %mul3A_153 = vector.broadcast %broadcast_in_dim3A_151 : vector<128x1x128xf32> to vector<128x64x128xf32>
    %mul3A_154 = arith.mulf %mul3A_152, %mul3A_153 : vector<128x64x128xf32>
    %reshape3A_155 = vector.shape_cast %mul3A_154 : vector<128x64x128xf32> to vector<128x8192xf32>
    %swap3A_156 = arith.constant 0 : index
    %swap3A_157 = arith.constant 0 : index
    %swap3A_158 = vector.load %arg10[%swap3A_156, %swap3A_157] : memref<128x8192xf32, #tpu.memory_space<vmem>>, vector<128x8192xf32>
    tpu.vector_store %arg10[%swap3A_156, %swap3A_157], %reshape3A_155 {strides = array<i32>} : memref<128x8192xf32, #tpu.memory_space<vmem>>, vector<128x8192xf32>,
    return
  }
  func.func @transform_0(%arg0: i32) -> (i32, i32) {
    %c0_i32 = arith.constant 0 : i32
    %c0_i32_0 = arith.constant 0 : i32
    %c0_i32_1 = arith.constant 0 : i32
    return %c0_i32, %c0_i32_0 : i32, i32
  }
  func.func @transform_1(%arg0: i32) -> (i32, i32) {
    %c0_i32 = arith.constant 0 : i32
    %c0_i32_0 = arith.constant 0 : i32
    return %arg0, %c0_i32 : i32, i32
  }
  func.func @transform_2(%arg0: i32) -> (i32, i32) {
    %c0_i32 = arith.constant 0 : i32
    %c0_i32_0 = arith.constant 0 : i32
    return %arg0, %c0_i32 : i32, i32
  }
  func.func @transform_3(%arg0: i32) -> (i32, i32) {
    %c0_i32 = arith.constant 0 : i32
    %c0_i32_0 = arith.constant 0 : i32
    %c0_i32_1 = arith.constant 0 : i32
    return %c0_i32, %c0_i32_0 : i32, i32
  }
  func.func @transform_4(%arg0: i32) -> (i32, i32) {
    %c0_i32 = arith.constant 0 : i32
    %c0_i32_0 = arith.constant 0 : i32
    %c0_i32_1 = arith.constant 0 : i32
    return %c0_i32, %c0_i32_0 : i32, i32
  }
  func.func @transform_5(%arg0: i32) -> (i32, i32) {
    %c0_i32 = arith.constant 0 : i32
    %c0_i32_0 = arith.constant 0 : i32
    %c0_i32_1 = arith.constant 0 : i32
    return %c0_i32, %c0_i32_0 : i32, i32
  }
  func.func @transform_6(%arg0: i32) -> (i32, i32) {
    %c0_i32 = arith.constant 0 : i32
    %c0_i32_0 = arith.constant 0 : i32
    %c0_i32_1 = arith.constant 0 : i32
    return %c0_i32, %c0_i32_0 : i32, i32
  }
  func.func @transform_7(%arg0: i32) -> (i32, i32, i32) {
    %c0_i32 = arith.constant 0 : i32
    %c0_i32_0 = arith.constant 0 : i32
    %c0_i32_1 = arith.constant 0 : i32
    return %arg0, %c0_i32, %c0_i32_0 : i32, i32, i32
  }
  func.func @transform_8(%arg0: i32) -> (i32, i32, i32) {
    %c0_i32 = arith.constant 0 : i32
    %c0_i32_0 = arith.constant 0 : i32
    %c0_i32_1 = arith.constant 0 : i32
    return %arg0, %c0_i32, %c0_i32_0 : i32, i32, i32
  }
  func.func @transform_9(%arg0: i32) -> (i32, i32) {
    %c0_i32 = arith.constant 0 : i32
    %c0_i32_0 = arith.constant 0 : i32
    return %arg0, %c0_i32 : i32, i32
  }
  func.func @transform_10(%arg0: i32) -> (i32, i32) {
    %c0_i32 = arith.constant 0 : i32
    %c0_i32_0 = arith.constant 0 : i32
    return %arg0, %c0_i32 : i32, i32
  }
}

</mosaic_0001>

<sc_bundles>
// kernel: kernel.6.cloned.1.call-start
scs
__scs_entry_jumppad:
0x0: {  	(pc) =	sbr.rel $0x88, $3  }
0x1: {  	(tag) =	ssettag $0x0;
	lr =	simm.s32 $0x1  }
0x2: {  	[smem:$0x3F98] =	sst lr;
	_ =	strace $0xD0000000  }
0x3: {  	_ = 	snop  }
0x4: {  	_ = 	snop  }
0x5: {  	_ = 	snop  }
0x6: {  	_ = 	snop  }
0x7: {  	_ = 	snop  }
__scs_overlays_trampoline_lowered:
0x8: {  	[smem:$0x3FA7] =	sst s0  }
0x9: {  	[smem:$0x3FA8] =	sst s1  }
0xa: {  	[smem:$0x3FA9] =	sst s2  }
0xb: {  	[smem:$0x3FAA] =	sst s3  }
0xc: {  	[smem:$0x3FAB] =	sst s4  }
0xd: {  	[smem:$0x3FAC] =	sst s5  }
0xe: {  	[smem:$0x3FAD] =	sst s6  }
0xf: {  	[smem:$0x3FAE] =	sst s7  }
0x10: {  	[smem:$0x3FAF] =	sst s8  }
0x11: {  	[smem:$0x3FB0] =	sst s9;
	s0 =	simm.s32 @!p0 $0x0  }
0x12: {  	s1 =	sld [smem:$0x3F96];
	s0 =	simm.s32 @p0 $0x1  }
0x13: {  	[smem:$0x3FB1] =	sst s0;
	s0 =	simm.s32 @!p1 $0x0  }
0x14: {  	s2 =	sld [smem:$0x3F95];
	s0 =	simm.s32 @p1 $0x1  }
0x15: {  	[smem:$0x3FB2] =	sst s0;
	s0 =	simm.s32 @!p2 $0x0  }
0x16: {  	s3 =	sld [smem:$0x3FDB];
	s0 =	simm.s32 @p2 $0x1  }
0x17: {  	s4 =	simm.s32 $0x1BF5;
	[smem:$0x3FB4] =	sst s0  }
0x18: {  	s0 =	sld [smem:$0x3F97];
	_ =	swait.ge [sflag:s4], $0x0  }
0x19: {  	s7 =	sld [smem:$0x3F98]  }
0x1a: {  	s8 =	sadd.s32 $0xFFFFE003, lr  }
0x1b: {  	s9 =	sadd.s32 $0xFFFFFEF7, lr;
	s5 =	simm.s32 $0xFFFFFFFF;
	p2 =	slt.u32 s8, $0xFFFFF086  }
0x1c: {  	p1 =	slt.u32 s9, $0xF7A;
	s5 =	simm.s32 @!p2 $0x0  }
0x1d: {  	s5 =	simm.s32 @p1 $0x1;
	p0 =	seq.s32 s7, s2  }
0x1e: {  	s7 =	smul.u32 @!p0 $0xF7A, s2;
	p2 =	seq.s32 @!p0 s5, $0x0  }
0x1f: {  	s9 =	smul.u32 $0xF7A, s1;
	s8 =	simm.s32 @!p0 $0x1BF5;
	p2 =	por !p2, p0  }
0x20: {  	[sflag:s8] =	ssyncset.s32 @!p0 $0xFFFFF086;
	s6 =	sadd.s32 @!p0 s3, s7;
	s7 =	simm.s32 @!p0 $0x108  }
0x21: {  	s3 =	sadd.s32 s3, s9;
	s6 =	sadd.s32 @!p0 $0x88, s6;
	s7 =	simm.s32 @p2 $0x1082  }
0x22: {  	[simem:s7], [sflag:s8] =	dma.local @!p0 [hbm:s6], $0xF7A  }
0x23: {  	s9 =	sor.u32 $0xD0000000, s2;
	s6 =	simm.s32 $0x108;
	_ =	swait.ge @!p0 [sflag:s8], $0x0  }
0x24: {  	s3 =	sadd.s32 $0x88, s3;
	s6 =	simm.s32 @!p1 $0x1082;
	[sflag:s4] =	ssyncset.s32 $0xFFFFF086  }
0x25: {  	[simem:s6], [sflag:s4] =	dma.local [hbm:s3], $0xF7A  }
0x26: {  	[smem:$0x3F98] =	sst s1;
	(tag) =	ssettag s2;
	_ =	strace s9  }
0x27: {  	s1 =	sld [smem:$0x3FA8]  }
0x28: {  	s2 =	sld [smem:$0x3FA9]  }
0x29: {  	s4 =	sld [smem:$0x3FAB]  }
0x2a: {  	p0 =	seq.s32 s5, $0x0;
	s5 =	sld [smem:$0x3FAC]  }
0x2b: {  	s6 =	sld [smem:$0x3FAD]  }
0x2c: {  	s7 =	sld [smem:$0x3FAE]  }
0x2d: {  	s3 =	simm.s32 $0x108;
	s8 =	sld [smem:$0x3FAF]  }
0x2e: {  	s3 =	simm.s32 @!p0 $0x1082;
	s9 =	sld [smem:$0x3FB0]  }
0x2f: {  	lr =	sadd.s32 s0, s3;
	s0 =	sld [smem:$0x3FA7]  }
0x30: {  	s3 =	sld [smem:$0x3FAA]  }
0x31: {  	[smem:$0x3FB3] =	sst s10  }
0x32: {  	s10 =	sld [smem:$0x3FB1];
	_ =	sdelay $0x3  }
0x33: {  	p0 =	seq.s32 s10, $0x1;
	s10 =	sld [smem:$0x3FB3];
	_ =	sdelay $0x3  }
0x34: {  	[smem:$0x3FB3] =	sst s10  }
0x35: {  	s10 =	sld [smem:$0x3FB2];
	_ =	sdelay $0x3  }
0x36: {  	p1 =	seq.s32 s10, $0x1;
	s10 =	sld [smem:$0x3FB3];
	_ =	sdelay $0x3  }
0x37: {  	[smem:$0x3FB3] =	sst s10  }
0x38: {  	s10 =	sld [smem:$0x3FB4]  }
0x39: {  	_ = 	snop;
	(pc) =	sbr.ind lr, $3  }
0x3a: {  	_ = 	snop  }
0x3b: {  	_ = 	snop  }
0x3c: {  	p2 =	seq.s32 s10, $0x1;
	s10 =	sld [smem:$0x3FB3]  }
0x3d: {  	_ =	shalt  }
0x3e: {  	_ =	shalt  }
0x3f: {  	_ =	shalt  }
0x40: {  	_ =	shalt  }
0x41: {  	_ =	shalt  }
0x42: {  	_ =	shalt  }
0x43: {  	_ =	shalt  }
0x44: {  	_ =	shalt  }
0x45: {  	_ =	shalt  }
0x46: {  	_ =	shalt  }
0x47: {  	_ =	shalt  }
0x48: {  	_ =	shalt  }
0x49: {  	_ =	shalt  }
0x4a: {  	_ =	shalt  }
0x4b: {  	_ =	shalt  }
0x4c: {  	_ =	shalt  }
0x4d: {  	_ =	shalt  }
0x4e: {  	_ =	shalt  }
0x4f: {  	_ =	shalt  }
0x50: {  	_ =	shalt  }
0x51: {  	_ =	shalt  }
0x52: {  	_ =	shalt  }
0x53: {  	_ =	shalt  }
0x54: {  	_ =	shalt  }
0x55: {  	_ =	shalt  }
0x56: {  	_ =	shalt  }
0x57: {  	_ =	shalt  }
0x58: {  	_ =	shalt  }
0x59: {  	_ =	shalt  }
0x5a: {  	_ =	shalt  }
0x5b: {  	_ =	shalt  }
0x5c: {  	_ =	shalt  }
0x5d: {  	_ =	shalt  }
0x5e: {  	_ =	shalt  }
0x5f: {  	_ =	shalt  }
0x60: {  	_ =	shalt  }
0x61: {  	_ =	shalt  }
0x62: {  	_ =	shalt  }
0x63: {  	_ =	shalt  }
0x64: {  	_ =	shalt  }
0x65: {  	_ =	shalt  }
0x66: {  	_ =	shalt  }
0x67: {  	_ =	shalt  }
0x68: {  	_ =	shalt  }
0x69: {  	_ =	shalt  }
0x6a: {  	_ =	shalt  }
0x6b: {  	_ =	shalt  }
0x6c: {  	_ =	shalt  }
0x6d: {  	_ =	shalt  }
0x6e: {  	_ =	shalt  }
0x6f: {  	_ =	shalt  }
0x70: {  	_ =	shalt  }
0x71: {  	_ =	shalt  }
0x72: {  	_ =	shalt  }
0x73: {  	_ =	shalt  }
0x74: {  	_ =	shalt  }
0x75: {  	_ =	shalt  }
0x76: {  	_ =	shalt  }
0x77: {  	_ =	shalt  }
0x78: {  	_ =	shalt  }
0x79: {  	_ =	shalt  }
0x7a: {  	_ =	shalt  }
0x7b: {  	_ =	shalt  }
0x7c: {  	_ =	shalt  }
0x7d: {  	_ =	shalt  }
0x7e: {  	_ =	shalt  }
0x7f: {  	_ =	shalt  }
0x80: {  	_ =	shalt  }
0x81: {  	_ =	shalt  }
0x82: {  	_ =	shalt  }
0x83: {  	_ =	shalt  }
0x84: {  	_ =	shalt  }
0x85: {  	_ =	shalt  }
0x86: {  	_ =	shalt  }
0x87: {  	_ =	shalt  }
.Lfunc_end0:
.L_simem_size_0:
called_computation_lowered:
.L_overlay_start_0:
0x88: {  	s2 =	sld [smem:$0x3FD9]  }
0x89: {  	s3 =	sld [smem:$0x3FFE];
	_ =	sdelay $0x1  }
0x8a: {  	s1 =	srdreg.scid  }
0x8b: {  	s0 =	sand.u32 $0x1, s1  }
0x8c: {  	s15 =	sshll.u32 s0, $0xA;
	s2 =	sadd.s32 s3, s2  }
0x8d: {  	s2 =	sadd.s32 s2, s15  }
0x8e: {  	[smem:$0x3FBF] =	sst s2  }
0x8f: {  	_ = 	snop  }
0x90: {  	s2 =	sld [smem:$0x3FD0];
	_ =	sdelay $0x2  }
0x91: {  	s4 =	simm.s32 $0xA;
	s5 =	simm.s32 $0x10;
	s16 =	sld [smem:$0x3FC5]  }
0x92: {  	[smem:s5], [sflag:s4] =	dma.local [hbm:s2], $0x1  }
0x93: {  	_ =	swait.eq [sflag:s4], $0x1  }
0x94: {  	[sflag:s4] =	ssyncset.done $0x0  }
0x95: {  	s17 =	sld [smem:$0x10];
	[sflag:s4] =	ssyncadd.s32 $0xFFFFFFFF  }
0x96: {  	s18 =	sld [smem:$0x12];
	(tm) =	ssettm $0x1  }
0x97: {  	s19 =	sld [smem:$0x3FFB];
	_ =	sdelay $0x3  }
0x98: {  	_ =	strace s19  }
0x99: {  	s5 =	sld [smem:$0x3FFC];
	_ =	sdelay $0x3  }
0x9a: {  	_ =	strace s5  }
0x9b: {  	s5 =	sld [smem:$0x3FFD];
	_ =	sdelay $0x3  }
0x9c: {  	_ =	strace s5  }
0x9d: {  	_ =	strace $0x8FFFFFFF  }
0x9e: {  	s20 =	sld [smem:$0x3FDB];
	_ =	sdelay $0x1  }
0x9f: {  	s6 =	simm.s32 $_scs_section_size  }
0xa0: {  	s7 =	simm.s32 $_size__tile_overlayer_lowered;
	s8 =	simm.s32 $_tile_overlayer_lowered  }
0xa1: {  	s23 =	simm.s32 $0x1BFF;
	s22 =	sshll.u32 s8, $0x1;
	s5 =	sadd.s32 s6, s20  }
0xa2: {  	s9 =	simm.s32 $0x0;
	s21 =	sshll.u32 s7, $0x1;
	s7 =	sadd.s32 s22, s5  }
0xa3: {  	[timem:s9], [sflag:s23] =	dma.local [hbm:s7], s21  }
0xa4: {  	_ =	swait.ge [sflag:s23], s21  }
0xa5: {  	s6 =	ssub.s32 $0x0, s21;
	[sflag:s23] =	ssyncset.done $0x0  }
0xa6: {  	[sflag:s23] =	ssyncadd.s32 s6;
	_ =	sdelay $0x1  }
0xa7: {  	s24 =	simm.s32 $0x1B8B  }
0xa8: {  	_ =	swait.ge [sflag:s24], $0x1  }
0xa9: {  	[sflag:s24] =	ssyncset.done $0x0  }
0xaa: {  	s25 =	simm.s32 $0x1B8E;
	[sflag:s24] =	ssyncadd.s32 $0xFFFFFFFF  }
0xab: {  	s26 =	simm.s32 $execute0_lowered;
	[smem:$0x3FD2] =	sst s25  }
0xac: {  	s6 =	sshll.u32 s26, $0x1;
	_ =	strace $0x80000046;
	[dreg:$0x1] =	wrdreg $0xFFFFFFFF  }
0xad: {  	s28 =	simm.s32 $_size_execute0_lowered;
	s5 =	sadd.s32 s5, s6;
	[dreg:$0x0] =	wrdreg $0x0  }
0xae: {  	s6 =	sshll.u32 s28, $0x1;
	[dreg:$0x2] =	wrdreg s5  }
0xaf: {  	[dreg:$0x3] =	wrdreg s6  }
0xb0: {  	[dreg:$0x4] =	wrdreg $0xC0  }
0xb1: {  	_ =	task [dreg:s9], $0x5FFFF  }
0xb2: {  	[dreg:$0x1] =	wrdreg $0xFFFFFFFF  }
0xb3: {  	[dreg:$0x0] =	wrdreg $0x60  }
0xb4: {  	[dreg:$0x2] =	wrdreg s16  }
0xb5: {  	[dreg:$0x3] =	wrdreg s17  }
0xb6: {  	[dreg:$0x4] =	wrdreg s18  }
0xb7: {  	[dreg:$0x5] =	wrdreg $0x9  }
0xb8: {  	_ =	task.clear_ibuf [dreg:s9], $0x6FFFF;
	_ =	strace $0x90000046  }
0xb9: {  	s29 =	simm.s32 $0x9;
	_ =	strace $0x8000004F  }
0xba: {  	_ =	swait.ge [sflag:s29], $0x1  }
0xbb: {  	[sflag:s29] =	ssyncadd.s32 $0xFFFFFFFF  }
0xbc: {  	_ =	strace $0x9000004F  }
0xbd: {  	_ =	sfence  }
0xbe: {  	s30 =	sld [smem:$0x0];
	_ =	sdelay $0x2  }
0xbf: {  	s31 =	sshll.u32 s1, $0xD;
	s1 =	sshrl.u32 s1, $0x2  }
0xc0: {  	s3 =	sand.u32 $0x4000, s31;
	s1 =	sadd.s32 s1, s30  }
0xc1: {  	s0 =	sor.u32 s3, s0;
	s1 =	sshll.u32 s1, $0x11  }
0xc2: {  	s0 =	sor.u32 s1, s0  }
0xc3: {  	s0 =	sadd.s32 $0x8F2B, s0  }
0xc4: {  	[sflag:s0] =	ssyncadd.remote.s32 $0x1  }
0xc5: {  	_ =	sfence.sel $0xFFFF  }
0xc6: {  	[dreg:$0x0] =	wrdreg $0xFFFFFFFF;
	(pc) =	sbr.abs _section_cstart, $3  }
0xc7: {  	[dreg:$0x1] =	wrdreg $0xFFFFFFFF  }
0xc8: {  	_ =	task.clear_ibuf [dreg:s9], $0x2FFFF;
	_ =	strace $0x9FFFFFFF  }
0xc9: {  	(tm) =	ssettm $0x7FFFFFFF  }
tec
execute0_lowered:
.L_overlay_start_1:
0x0: {  	(tag) =	ssettag $0x1  }
0x1: {  	s1 =	srdreg.scid  }
0x2: {  	s6 =	sand.u32 $0x1, s1  }
0x3: {  	s2 =	stileid.u32;
	s7 =	sshll.u32 s6, $0x4  }
0x4: {  	s7 =	sor.u32 s2, s7  }
0x5: {  	p0 =	sgt.u32 s7, $0x7  }
.Ltmp0:
0x6: {  	s0 =	rddreg [dreg:$0x0];
	(pc) =	sbr.rel @p0 .LBB2_3-.Ltmp0, $4  }
0x7: {  	s4 =	rddreg [dreg:$0x1]  }
0x8: {  	s5 =	rddreg [dreg:$0x2];
	s3 =	simm.s32 $0x0  }
0x9: {  	[smem:$0x7FF] =	sst s3  }
0xa: {  	s1 =	rddreg [dreg:$0x3];
	_ =	strace $0x80000047  }
0xb: {  	s7 =	smin.u32 s7, $0x8  }
0xc: {  	s6 =	ssub.s32 $0x2, s6;
	s10 =	simm.s32 $0x1100;
	s11 =	simm.s32 $0x1900  }
0xd: {  	s12 =	simm.s32 $0x2100;
	s13 =	simm.s32 $0x2900;
	s14 =	simm.s32 $0x3100  }
0xe: {  	s15 =	simm.s32 $0x3900;
	s16 =	simm.s32 $0x4100;
	s17 =	simm.s32 $0x4900  }
0xf: {  	s18 =	simm.s32 $0x5100;
	s19 =	simm.s32 $0x5900;
	s20 =	simm.s32 $0x6100  }
0x10: {  	s21 =	simm.s32 $0x6900;
	s22 =	simm.s32 $0x7100;
	s23 =	simm.s32 $0x7900  }
0x11: {  	s24 =	simm.s32 $0x5;
	s25 =	simm.s32 $0x3;
	s8 =	sshll.u32 s7, $0x4  }
0x12: {  	v2 =	vlaneseq.u32;
	s9 =	sshrl.u32 s6, $0x1;
	s7 =	sshll.u32 s7, $0xC;
	s4 =	sadd.s32 s4, s8  }
0x13: {  	vm0 =	vmmov $0xffff;
	v1 =	vshrl.u32 v2, $0x3;
	s6 =	ssub.s32 s6, s9;
	s5 =	sadd.s32 s5, s7;
	s7 =	simm.s32 $0x1  }
0x14: {  	v0 =	vand.u32 $0x7, v2;
	v2 =	vor.u32 $0x8, v2;
	s8 =	simm.s32 $0x100;
	s9 =	simm.s32 $0x900;
	v1 =	vmul.u32 $0x8, v1;
	s6 =	smax.u32 s6, $0x1  }
.LBB2_2:
0x15: {  	_ =	strace $0x80000048  }
0x16: {  	[tilespmem:s3], [sflag:$0x1] =	stream.linear.gather [hbm4b:s4+s3], $0x80, $0x200038;
	[tilespmem:$0x10100] =	vst v63  }
0x17: {  	_ =	strace $0x90000048  }
0x18: {  	_ =	strace $0x8000004A  }
0x19: {  	_ =	swait.ge [sflag:s7], $0x80  }
0x1a: {  	[sflag:s7] =	ssyncset.done $0x0  }
0x1b: {  	[sflag:s7] =	ssyncadd.s32 $0xFFFFFF80  }
0x1c: {  	_ =	strace $0x9000004A  }
0x1d: {  	_ =	strace $0x8000004B  }
0x1e: {  	v3 =	vld [tilespmem:$0x0];
	_ =	sdelay $0x4  }
0x1f: {  	v4 =	vshll.u32 v3, $0x1  }
0x20: {  	v3 =	vand.u32 $0x7, v3;
	v4 =	vand.u32 $0xFFFFFFF0, v4  }
0x21: {  	v3 =	vor.u32 v3, v4  }
0x22: {  	v4 =	vperm.xlane v3, v0;
	_ =	sdelay $0x1  }
0x23: {  	v3 =	vperm.xlane v3, v2;
	v4 =	vadd.s32 v1, v4;
	_ =	sdelay $0x1  }
0x24: {  	v3 =	vadd.s32 v1, v3;
	_ =	sdelay $0x2  }
0x25: {  	[tilespmem:s8], [sflag:$0x5] =	stream.indirect_vreg.gather [hbm4b:s0+s3], $0x80, v4, vm0, $0x2000b8;
	[tilespmem:$0x10100] =	vst v63  }
0x26: {  	_ = 	snop  }
0x27: {  	[tilespmem:s9], [sflag:$0x5] =	stream.indirect_vreg.gather [hbm4b:s0+s3], $0x80, v3, vm0, $0x2000b8;
	[tilespmem:$0x10100] =	vst v63  }
0x28: {  	v3 =	vld [tilespmem:$0x10];
	_ =	sdelay $0x4  }
0x29: {  	v57 =	vshll.u32 v3, $0x1  }
0x2a: {  	v3 =	vand.u32 $0x7, v3;
	v4 =	vand.u32 $0xFFFFFFF0, v57  }
0x2b: {  	v3 =	vor.u32 v3, v4  }
0x2c: {  	v4 =	vperm.xlane v3, v0;
	_ =	sdelay $0x1  }
0x2d: {  	v3 =	vperm.xlane v3, v2;
	v4 =	vadd.s32 v1, v4;
	_ =	sdelay $0x1  }
0x2e: {  	v3 =	vadd.s32 v1, v3;
	_ =	sdelay $0x2  }
0x2f: {  	[tilespmem:s10], [sflag:$0x5] =	stream.indirect_vreg.gather [hbm4b:s0+s3], $0x80, v4, vm0, $0x2000b8;
	[tilespmem:$0x10100] =	vst v63  }
0x30: {  	_ = 	snop  }
0x31: {  	[tilespmem:s11], [sflag:$0x5] =	stream.indirect_vreg.gather [hbm4b:s0+s3], $0x80, v3, vm0, $0x2000b8;
	[tilespmem:$0x10100] =	vst v63  }
0x32: {  	v3 =	vld [tilespmem:$0x20];
	_ =	sdelay $0x4  }
0x33: {  	v58 =	vshll.u32 v3, $0x1  }
0x34: {  	v3 =	vand.u32 $0x7, v3;
	v4 =	vand.u32 $0xFFFFFFF0, v58  }
0x35: {  	v3 =	vor.u32 v3, v4  }
0x36: {  	v4 =	vperm.xlane v3, v0;
	_ =	sdelay $0x1  }
0x37: {  	v3 =	vperm.xlane v3, v2;
	v4 =	vadd.s32 v1, v4;
	_ =	sdelay $0x1  }
0x38: {  	v3 =	vadd.s32 v1, v3;
	_ =	sdelay $0x2  }
0x39: {  	[tilespmem:s12], [sflag:$0x5] =	stream.indirect_vreg.gather [hbm4b:s0+s3], $0x80, v4, vm0, $0x2000b8;
	[tilespmem:$0x10100] =	vst v63  }
0x3a: {  	_ = 	snop  }
0x3b: {  	[tilespmem:s13], [sflag:$0x5] =	stream.indirect_vreg.gather [hbm4b:s0+s3], $0x80, v3, vm0, $0x2000b8;
	[tilespmem:$0x10100] =	vst v63  }
0x3c: {  	v3 =	vld [tilespmem:$0x30];
	_ =	sdelay $0x4  }
0x3d: {  	v59 =	vshll.u32 v3, $0x1  }
0x3e: {  	v3 =	vand.u32 $0x7, v3;
	v4 =	vand.u32 $0xFFFFFFF0, v59  }
0x3f: {  	v3 =	vor.u32 v3, v4  }
0x40: {  	v4 =	vperm.xlane v3, v0;
	_ =	sdelay $0x1  }
0x41: {  	v3 =	vperm.xlane v3, v2;
	v4 =	vadd.s32 v1, v4;
	_ =	sdelay $0x1  }
0x42: {  	v3 =	vadd.s32 v1, v3;
	_ =	sdelay $0x2  }
0x43: {  	[tilespmem:s14], [sflag:$0x5] =	stream.indirect_vreg.gather [hbm4b:s0+s3], $0x80, v4, vm0, $0x2000b8;
	[tilespmem:$0x10100] =	vst v63  }
0x44: {  	_ = 	snop  }
0x45: {  	[tilespmem:s15], [sflag:$0x5] =	stream.indirect_vreg.gather [hbm4b:s0+s3], $0x80, v3, vm0, $0x2000b8;
	[tilespmem:$0x10100] =	vst v63  }
0x46: {  	v3 =	vld [tilespmem:$0x40];
	_ =	sdelay $0x4  }
0x47: {  	v60 =	vshll.u32 v3, $0x1  }
0x48: {  	v3 =	vand.u32 $0x7, v3;
	v4 =	vand.u32 $0xFFFFFFF0, v60  }
0x49: {  	v3 =	vor.u32 v3, v4  }
0x4a: {  	v4 =	vperm.xlane v3, v0;
	_ =	sdelay $0x1  }
0x4b: {  	v3 =	vperm.xlane v3, v2;
	v4 =	vadd.s32 v1, v4;
	_ =	sdelay $0x1  }
0x4c: {  	v3 =	vadd.s32 v1, v3;
	_ =	sdelay $0x2  }
0x4d: {  	[tilespmem:s16], [sflag:$0x5] =	stream.indirect_vreg.gather [hbm4b:s0+s3], $0x80, v4, vm0, $0x2000b8;
	[tilespmem:$0x10100] =	vst v63  }
0x4e: {  	_ = 	snop  }
0x4f: {  	[tilespmem:s17], [sflag:$0x5] =	stream.indirect_vreg.gather [hbm4b:s0+s3], $0x80, v3, vm0, $0x2000b8;
	[tilespmem:$0x10100] =	vst v63  }
0x50: {  	v3 =	vld [tilespmem:$0x50];
	_ =	sdelay $0x4  }
0x51: {  	v61 =	vshll.u32 v3, $0x1  }
0x52: {  	v3 =	vand.u32 $0x7, v3;
	v4 =	vand.u32 $0xFFFFFFF0, v61  }
0x53: {  	v3 =	vor.u32 v3, v4  }
0x54: {  	v4 =	vperm.xlane v3, v0;
	_ =	sdelay $0x1  }
0x55: {  	v3 =	vperm.xlane v3, v2;
	v4 =	vadd.s32 v1, v4;
	_ =	sdelay $0x1  }
0x56: {  	v3 =	vadd.s32 v1, v3;
	_ =	sdelay $0x2  }
0x57: {  	[tilespmem:s18], [sflag:$0x5] =	stream.indirect_vreg.gather [hbm4b:s0+s3], $0x80, v4, vm0, $0x2000b8;
	[tilespmem:$0x10100] =	vst v63  }
0x58: {  	_ = 	snop  }
0x59: {  	[tilespmem:s19], [sflag:$0x5] =	stream.indirect_vreg.gather [hbm4b:s0+s3], $0x80, v3, vm0, $0x2000b8;
	[tilespmem:$0x10100] =	vst v63  }
0x5a: {  	v3 =	vld [tilespmem:$0x60];
	_ =	sdelay $0x4  }
0x5b: {  	v62 =	vshll.u32 v3, $0x1  }
0x5c: {  	v3 =	vand.u32 $0x7, v3;
	v4 =	vand.u32 $0xFFFFFFF0, v62  }
0x5d: {  	v3 =	vor.u32 v3, v4  }
0x5e: {  	v4 =	vperm.xlane v3, v0;
	_ =	sdelay $0x1  }
0x5f: {  	v3 =	vperm.xlane v3, v2;
	v4 =	vadd.s32 v1, v4;
	_ =	sdelay $0x1  }
0x60: {  	v3 =	vadd.s32 v1, v3;
	_ =	sdelay $0x2  }
0x61: {  	[tilespmem:s20], [sflag:$0x5] =	stream.indirect_vreg.gather [hbm4b:s0+s3], $0x80, v4, vm0, $0x2000b8;
	[tilespmem:$0x10100] =	vst v63  }
0x62: {  	_ = 	snop  }
0x63: {  	[tilespmem:s21], [sflag:$0x5] =	stream.indirect_vreg.gather [hbm4b:s0+s3], $0x80, v3, vm0, $0x2000b8;
	[tilespmem:$0x10100] =	vst v63  }
0x64: {  	v3 =	vld [tilespmem:$0x70];
	_ =	sdelay $0x4  }
0x65: {  	v63 =	vshll.u32 v3, $0x1  }
0x66: {  	v3 =	vand.u32 $0x7, v3;
	v4 =	vand.u32 $0xFFFFFFF0, v63  }
0x67: {  	v3 =	vor.u32 v3, v4  }
0x68: {  	v4 =	vperm.xlane v3, v0;
	_ =	sdelay $0x1  }
0x69: {  	v3 =	vperm.xlane v3, v2;
	v4 =	vadd.s32 v1, v4;
	_ =	sdelay $0x1  }
0x6a: {  	v3 =	vadd.s32 v1, v3;
	_ =	sdelay $0x2  }
0x6b: {  	[tilespmem:s22], [sflag:$0x5] =	stream.indirect_vreg.gather [hbm4b:s0+s3], $0x80, v4, vm0, $0x2000b8;
	[tilespmem:$0x10100] =	vst v63  }
0x6c: {  	_ = 	snop  }
0x6d: {  	[tilespmem:s23], [sflag:$0x5] =	stream.indirect_vreg.gather [hbm4b:s0+s3], $0x80, v3, vm0, $0x2000b8;
	[tilespmem:$0x10100] =	vst v63  }
0x6e: {  	_ =	swait.ge [sflag:s24], $0x8000  }
0x6f: {  	[sflag:s24] =	ssyncset.done $0x0  }
0x70: {  	[sflag:s24] =	ssyncadd.s32 $0xFFFF8000  }
0x71: {  	_ =	strace $0x9000004B  }
0x72: {  	_ =	strace $0x8000004C  }
0x73: {  	[hbm4b:s5+s3] =	stream.linear.scatter [tilespmem:s8], [sflag:$0x3], $0x8000, $0x200038;
	[tilespmem:$0x10100] =	vst v63  }
0x74: {  	p0 =	sne.s32 s6, $0x1;
	_ =	strace $0x9000004C  }
.Ltmp1:
0x75: {  	_ =	strace $0x8000004E;
	(pc) =	sbr.rel @p0 .LBB2_2-.Ltmp1, $4  }
0x76: {  	_ =	swait.ge [sflag:s25], $0x8000  }
0x77: {  	[sflag:s25] =	ssyncset.done $0x0  }
0x78: {  	[sflag:s25] =	ssyncadd.s32 $0xFFFF8000  }
0x79: {  	s6 =	sadd.s32 $0xFFFFFFFF, s6;
	_ =	strace $0x9000004E  }
.LBB2_3:
0x7a: {  	_ =	sfence.sel $0x180000  }
0x7b: {  	[bflag:$0x0] =	sbarrier.arrive $0xFFFF  }
0x7c: {  	p0 =	sne.s32 s2, $0x0;
	_ =	strace $0x90000047  }
0x7d: {  	s0 =	sadd.s32 @!p0 $0x100000, s1;
	[bflag:$0x2] =	sbarrier.arrive $0xFFFF  }
0x7e: {  	[sflag:s0] =	ssyncadd.tile.s32 @!p0 $0x1;
	_ =	shalt  }
.Lfunc_end2:
_tile_overlayer_lowered:
.L_overlay_start_2:
0x7f: {  	(tag) =	ssettag $0x2  }
0x80: {  	s0 =	rddreg [dreg:$0x0];
	s2 =	stileid.u32  }
0x81: {  	s1 =	rddreg [dreg:$0x1];
	p0 =	sne.s32 s2, $0x0  }
0x82: {  	s3 =	rddreg [dreg:$0x2];
	[bflag:$0x3] =	sbarrier.arrive $0xFFFF;
	s2 =	simm.s32 @!p0 $0x1C01  }
0x83: {  	[timem:s3], [sflag:s2] =	dma.local @!p0 [hbm:s0], s1  }
0x84: {  	s0 =	simm.s32 @!p0 $0x1  }
0x85: {  	_ =	swait.ge @!p0 [sflag:s0], s1  }
0x86: {  	s1 =	ssub.s32 @!p0 $0x0, s1;
	[sflag:s0] =	ssyncset.done @!p0 $0x0  }
0x87: {  	[sflag:s0] =	ssyncadd.s32 @!p0 s1  }
0x88: {  	[bflag:$0x3] =	sbarrier.arrive $0xFFFF  }
0x89: {  	_ =	shalt  }

</sc_bundles>
